<compile_context>
chip_gen: v7x
topology: tpu7x:2x2x1
jax: 0.10.2.dev20260603
libtpu: 0.0.44.dev20260713+nightly
codegen_flags: <defaults>
</compile_context>

<pallas_src>
import functools

import jax
import jax.numpy as jnp
from jax import lax
from jax.experimental import pallas as pl
from jax.experimental.pallas import tpu as pltpu
from jax.experimental.pallas import tpu_sc as plsc

_S = 32
_D = 64
_N = 1025
_RPW = 32
_DV = _D // 16
_QL = 256


def _t0(tv_v, th_v, d):
    return tv_v[0, pl.ds(16 * d, 16)] + th_v[0, pl.ds(16 * d, 16)]


def _fill_quarter(tv_v, th_v, buf, i, k):
    gm = i - 1
    bi = gm // _S
    ci = gm - bi * _S
    h0 = 33 - ci
    v0 = 33 - bi
    if k == 0:
        for d in range(_DV):
            buf[0, pl.ds(16 * d, 16)] = _t0(tv_v, th_v, d)
    else:
        for d in range(_DV):
            v = tv_v[v0 + (8 * k - 1), pl.ds(16 * d, 16)] \
                + th_v[h0 + 31, pl.ds(16 * d, 16)]
            buf[0, pl.ds(16 * d, 16)] = v

    def block_cols(bb, c_hi):
        vrow = v0 + 8 * k + bb
        vv = [tv_v[vrow, pl.ds(16 * d, 16)] for d in range(_DV)]
        base = 1 + _S * bb

        def c_body(c, _):
            for d in range(_DV):
                buf[base + c, pl.ds(16 * d, 16)] = \
                    vv[d] + th_v[h0 + c, pl.ds(16 * d, 16)]
            return 0

        lax.fori_loop(0, c_hi, c_body, 0, unroll=False)

    def b_body(bb, _):
        block_cols(bb, _S)
        return 0

    lax.fori_loop(0, 7, b_body, 0, unroll=False)
    block_cols(7, 31)
    if k == 3:
        for d in range(_DV):
            v = tv_v[v0 + 31, pl.ds(16 * d, 16)] + th_v[h0 + 31, pl.ds(16 * d, 16)]
            buf[_QL, pl.ds(16 * d, 16)] = v


def _fill_pad(tv_v, th_v, buf):
    t0 = [_t0(tv_v, th_v, d) for d in range(_DV)]

    def j_body(j, _):
        for d in range(_DV):
            buf[j, pl.ds(16 * d, 16)] = t0[d]
        return 0

    lax.fori_loop(0, _QL + 1, j_body, 0, unroll=False)


def _wait_q(buf, sem, out_hbm, k):
    pltpu.make_async_copy(
        buf.at[pl.ds(0, _QL), :], out_hbm.at[0, pl.ds(0, _QL)], sem).wait()
    if k == 3:
        pltpu.make_async_copy(
            buf.at[pl.ds(_QL, 1), :], out_hbm.at[0, pl.ds(1024, 1)], sem).wait()


def _do_row(tv_v, th_v, bufs, sems, out_hbm, i, first):
    for k in range(4):
        buf = bufs[k % 2]
        sem = sems[k % 2]
        prev_k = k - 2 if k >= 2 else k + 2

        @pl.when(jnp.logical_not(first) | (k >= 2))
        def _(buf=buf, sem=sem, prev_k=prev_k):
            _wait_q(buf, sem, out_hbm, prev_k)

        @pl.when(i < 0)
        def _(buf=buf, k=k):
            _fill_quarter(tv_v, th_v, buf, i, k)

        @pl.when(i == 0)
        def _(buf=buf):
            _fill_pad(tv_v, th_v, buf)

        pltpu.make_async_copy(
            buf.at[pl.ds(0, _QL), :],
            out_hbm.at[i, pl.ds(_QL * k, _QL)], sem).start()
        if k == 3:
            pltpu.make_async_copy(
                buf.at[pl.ds(_QL, 1), :],
                out_hbm.at[i, pl.ds(1024, 1)], sem).start()


def _sc_body(tv_hbm, th_hbm, out_hbm, tv_v, th_v, buf0, buf1, sem0, sem1):
    wid = lax.axis_index("s") * 2 + lax.axis_index("c")
    pltpu.sync_copy(tv_hbm, tv_v)
    pltpu.sync_copy(th_hbm, th_v)
    bufs = (buf0, buf1)
    sems = (sem0, sem1)

    def row_body(r, _):
        _do_row(tv_v, th_v, bufs, sems, out_hbm, wid * _RPW + r, r == 0)
        return 0

    lax.fori_loop(0, _RPW, row_body, 0, unroll=False)

    @pl.when(wid == 0)
    def _():
        _do_row(tv_v, th_v, bufs, sems, out_hbm, _N - 1,
                jnp.bool_(False))

    _wait_q(buf0, sem0, out_hbm, 2)
    _wait_q(buf1, sem1, out_hbm, 3)


def kernel(length_q, length_k, embeddings_table_v, embeddings_table_h):
    del length_q, length_k
    run = functools.partial(
        pl.kernel,
        out_type=jax.ShapeDtypeStruct((_N, _N, _D), jnp.float32),
        mesh=plsc.VectorSubcoreMesh(core_axis_name="c", subcore_axis_name="s"),
        scratch_types=[
            pltpu.VMEM((66, _D), jnp.float32),
            pltpu.VMEM((66, _D), jnp.float32),
            pltpu.VMEM((_QL + 8, _D), jnp.float32),
            pltpu.VMEM((_QL + 8, _D), jnp.float32),
            pltpu.SemaphoreType.DMA,
            pltpu.SemaphoreType.DMA,
        ],
    )(_sc_body)
    return run(embeddings_table_v, embeddings_table_h)

# --- scband reference (transcript-rebuilt; emitter-appended) ---
"""Pipeline reference for scband-relative-position2-d-8881992368440 (READ-ONLY COPY).

The authoritative reference and input builder live on the scoring server;
editing this copy changes nothing except your own understanding.
"""

import jax, jax.numpy as jnp
import numpy as np

LENGTH = 32
HEAD_EMBED_DIM = 64

def setup_inputs(seed: int = 0) -> dict:
    key = jax.random.key(seed)
    k1, k2 = jax.random.split(key)
    table_v = jax.random.normal(k1, (LENGTH * 2 + 2, HEAD_EMBED_DIM), dtype=jnp.float32) * 0.02
    table_h = jax.random.normal(k2, (LENGTH * 2 + 2, HEAD_EMBED_DIM), dtype=jnp.float32) * 0.02
    return {
        "length_q": 1025,
        "length_k": 1025,
        "embeddings_table_v": table_v,
        "embeddings_table_h": table_h,
    }

def reference(length_q, length_k, embeddings_table_v, embeddings_table_h):
    lq = length_q - 1
    lk = length_k - 1
    lq_static = 1025 - 1
    lk_static = 1025 - 1
    range_vec_q = jnp.arange(lq_static) + (lq - lq_static)
    range_vec_k = jnp.arange(lk_static) + (lk - lk_static)
    s = int(lq_static ** 0.5)
    distance_mat_v = range_vec_k[None, :] // s - range_vec_q[:, None] // s
    distance_mat_h = range_vec_k[None, :] % s - range_vec_q[:, None] % s
    distance_mat_clipped_v = jnp.clip(distance_mat_v, -LENGTH, LENGTH)
    distance_mat_clipped_h = jnp.clip(distance_mat_h, -LENGTH, LENGTH)
    final_mat_v = distance_mat_clipped_v + LENGTH + 1
    final_mat_h = distance_mat_clipped_h + LENGTH + 1
    final_mat_v = jnp.pad(final_mat_v, ((1, 0), (1, 0)), mode="constant", constant_values=0).astype(jnp.int32)
    final_mat_h = jnp.pad(final_mat_h, ((1, 0), (1, 0)), mode="constant", constant_values=0).astype(jnp.int32)
    embeddings = jnp.take(embeddings_table_v, final_mat_v, axis=0) + jnp.take(embeddings_table_h, final_mat_h, axis=0)
    return embeddings

if __name__ == "__main__":
    import jax
    _d = setup_inputs()
    print(jax.jit(kernel)(*tuple(_d.values())))

</pallas_src>

<mosaic_0001>
#map = affine_map<(d0, d1) -> (0, 0)>
#map1 = affine_map<(d0, d1) -> (0, 0, 0)>
module attributes {stable_mosaic.version = 14 : i64} {
  func.func @_sc_body(%arg0: i32, %arg1: i32, %arg2: memref<66x64xf32, #tpu.memory_space<hbm>>, %arg3: memref<66x64xf32, #tpu.memory_space<hbm>>, %arg4: memref<1025x1025x64xf32, #tpu.memory_space<hbm>>, %arg5: memref<66x64xf32, #tpu.memory_space<vmem>>, %arg6: memref<66x64xf32, #tpu.memory_space<vmem>>, %arg7: memref<264x64xf32, #tpu.memory_space<vmem>>, %arg8: memref<264x64xf32, #tpu.memory_space<vmem>>, %arg9: memref<!tpu.dma_semaphore, #tpu.memory_space<semaphore_mem>>, %arg10: memref<!tpu.dma_semaphore, #tpu.memory_space<semaphore_mem>>) attributes {dimension_semantics = [#tpu.dimension_semantics<core_parallel>, #tpu.dimension_semantics<subcore_parallel>], iteration_bounds = array<i64: 2, 16>, scalar_prefetch = 0 : i64, scratch_operands = 6 : i64, tpu.core_type = #tpu.core_type<sc_vector_subcore>, window_params = [{transform_indices = #map}, {transform_indices = #map}, {transform_indices = #map1}]} {
    %mul3A = arith.constant 2 : i32
    %mul3A_0 = arith.muli %arg1, %mul3A : i32
    %add3A = arith.addi %mul3A_0, %arg0 : i32
    "tpu.region"() ({
      %run_scoped3A = tpu.sem_alloc : memref<!tpu.dma_semaphore, #tpu.memory_space<semaphore_mem>>
      tpu.enqueue_dma source(%arg2 : memref<66x64xf32, #tpu.memory_space<hbm>>) target(%arg5 : memref<66x64xf32, #tpu.memory_space<vmem>>) target_semaphore(%run_scoped3A : memref<!tpu.dma_semaphore, #tpu.memory_space<semaphore_mem>>)
      tpu.wait_dma2 semaphore(%run_scoped3A : memref<!tpu.dma_semaphore, #tpu.memory_space<semaphore_mem>>) src(%arg2 : memref<66x64xf32, #tpu.memory_space<hbm>>) dst(%arg5 : memref<66x64xf32, #tpu.memory_space<vmem>>)
      tpu.yield
    }) : () -> ()
    "tpu.region"() ({
      %run_scoped3A = tpu.sem_alloc : memref<!tpu.dma_semaphore, #tpu.memory_space<semaphore_mem>>
      tpu.enqueue_dma source(%arg3 : memref<66x64xf32, #tpu.memory_space<hbm>>) target(%arg6 : memref<66x64xf32, #tpu.memory_space<vmem>>) target_semaphore(%run_scoped3A : memref<!tpu.dma_semaphore, #tpu.memory_space<semaphore_mem>>)
      tpu.wait_dma2 semaphore(%run_scoped3A : memref<!tpu.dma_semaphore, #tpu.memory_space<semaphore_mem>>) src(%arg3 : memref<66x64xf32, #tpu.memory_space<hbm>>) dst(%arg6 : memref<66x64xf32, #tpu.memory_space<vmem>>)
      tpu.yield
    }) : () -> ()
    %scan3A = arith.constant 0 : i32
    %scan3A_1 = arith.constant 0 : i32
    %scan3A_2 = arith.constant 32 : i32
    %scan3A_3 = arith.addi %scan3A_1, %scan3A_2 : i32
    %scan3A_4 = arith.constant 1 : i32
    %scan3A_5 = scf.for %scan3A_53 = %scan3A_1 to %scan3A_3 step %scan3A_4 iter_args(%scan3A_54 = %scan3A) -> (i32)  : i32 {
      %mul3A_55 = arith.constant 32 : i32
      %mul3A_56 = arith.muli %add3A, %mul3A_55 : i32
      %add3A_57 = arith.addi %mul3A_56, %scan3A_53 : i32
      %eq3A_58 = arith.constant 0 : i32
      %eq3A_59 = arith.cmpi eq, %scan3A_53, %eq3A_58 : i32
      %not3A = arith.constant true
      %not3A_60 = arith.xori %eq3A_59, %not3A : i1
      %or3A = arith.constant false
      %or3A_61 = arith.ori %not3A_60, %or3A : i1
      %convert_element_type3A_62 = arith.extui %or3A_61 : i1 to i32
      %cond3A_63 = arith.constant 0 : i32
      %cond3A_64 = arith.cmpi ne, %convert_element_type3A_62, %cond3A_63 : i32
      scf.if %cond3A_64 {
        %dma_wait3A_195 = arith.constant 0 : i32
        %dma_wait3A_196 = arith.constant 0 : i32
        %dma_wait3A_197 = arith.constant 0 : i32
        %dma_wait3A_198 = tpu.memref_slice %arg7[%dma_wait3A_196, %dma_wait3A_197] : memref<264x64xf32, #tpu.memory_space<vmem>> -> memref<256x64xf32, #tpu.memory_space<vmem>>
        %dma_wait3A_199 = arith.constant 0 : i32
        %dma_wait3A_200 = arith.constant 0 : i32
        %dma_wait3A_201 = tpu.memref_slice %arg4[%dma_wait3A_195, %dma_wait3A_199, %dma_wait3A_200] : memref<1025x1025x64xf32, #tpu.memory_space<hbm>> -> memref<1x256x64xf32, #tpu.memory_space<hbm>>
        %dma_wait3A_202 = tpu.memref_squeeze %dma_wait3A_201 : memref<1x256x64xf32, #tpu.memory_space<hbm>> -> memref<256x64xf32, #tpu.memory_space<hbm>>
        %dma_wait3A_203 = arith.constant 0 : i32
        %dma_wait3A_204 = arith.constant 0 : i32
        %dma_wait3A_205 = tpu.memref_slice %arg4[%dma_wait3A_195, %dma_wait3A_203, %dma_wait3A_204] : memref<1025x1025x64xf32, #tpu.memory_space<hbm>> -> memref<1x256x64xf32, #tpu.memory_space<hbm>>
        %dma_wait3A_206 = tpu.memref_squeeze %dma_wait3A_205 : memref<1x256x64xf32, #tpu.memory_space<hbm>> -> memref<256x64xf32, #tpu.memory_space<hbm>>
        %dma_wait3A_207 = arith.constant 0 : i32
        %dma_wait3A_208 = arith.constant 0 : i32
        %dma_wait3A_209 = tpu.memref_slice %arg7[%dma_wait3A_207, %dma_wait3A_208] : memref<264x64xf32, #tpu.memory_space<vmem>> -> memref<256x64xf32, #tpu.memory_space<vmem>>
        tpu.wait_dma2 semaphore(%arg9 : memref<!tpu.dma_semaphore, #tpu.memory_space<semaphore_mem>>) src(%dma_wait3A_209 : memref<256x64xf32, #tpu.memory_space<vmem>>) dst(%dma_wait3A_206 : memref<256x64xf32, #tpu.memory_space<hbm>>)
      } else {
      }
      %lt3A = arith.constant 0 : i32
      %lt3A_65 = arith.cmpi slt, %add3A_57, %lt3A : i32
      %convert_element_type3A_66 = arith.extui %lt3A_65 : i1 to i32
      %cond3A_67 = arith.constant 0 : i32
      %cond3A_68 = arith.cmpi ne, %convert_element_type3A_66, %cond3A_67 : i32
      scf.if %cond3A_68 {
        %sub3A = arith.constant 1 : i32
        %sub3A_195 = arith.subi %add3A_57, %sub3A : i32
        %jit3A = arith.constant 32 : i32
        %div3A = arith.divsi %sub3A_195, %jit3A : i32
        %sign3A = arith.constant 0 : i32
        %sign3A_196 = arith.cmpi sgt, %sub3A_195, %sign3A : i32
        %sign3A_197 = arith.extui %sign3A_196 : i1 to i32
        %sign3A_198 = arith.constant 0 : i32
        %sign3A_199 = arith.cmpi slt, %sub3A_195, %sign3A_198 : i32
        %sign3A_200 = arith.extui %sign3A_199 : i1 to i32
        %sign3A_201 = arith.subi %sign3A_197, %sign3A_200 : i32
        %sign3A_202 = arith.constant 0 : i32
        %sign3A_203 = arith.cmpi sgt, %jit3A, %sign3A_202 : i32
        %sign3A_204 = arith.extui %sign3A_203 : i1 to i32
        %sign3A_205 = arith.constant 0 : i32
        %sign3A_206 = arith.cmpi slt, %jit3A, %sign3A_205 : i32
        %sign3A_207 = arith.extui %sign3A_206 : i1 to i32
        %sign3A_208 = arith.subi %sign3A_204, %sign3A_207 : i32
        %ne3A = arith.cmpi ne, %sign3A_201, %sign3A_208 : i32
        %rem3A = arith.remsi %sub3A_195, %jit3A : i32
        %ne3A_209 = arith.constant 0 : i32
        %ne3A_210 = arith.cmpi ne, %rem3A, %ne3A_209 : i32
        %and3A = arith.andi %ne3A, %ne3A_210 : i1
        %sub3A_211 = arith.constant 1 : i32
        %sub3A_212 = arith.subi %div3A, %sub3A_211 : i32
        %select_n3A = arith.select %and3A, %sub3A_212, %div3A : i32
        %mul3A_213 = arith.constant 32 : i32
        %mul3A_214 = arith.muli %select_n3A, %mul3A_213 : i32
        %sub3A_215 = arith.subi %sub3A_195, %mul3A_214 : i32
        %sub3A_216 = arith.constant 33 : i32
        %sub3A_217 = arith.subi %sub3A_216, %sub3A_215 : i32
        %sub3A_218 = arith.constant 33 : i32
        %sub3A_219 = arith.subi %sub3A_218, %select_n3A : i32
        %get3A = arith.constant 0 : i32
        %get3A_220 = arith.index_cast %get3A : i32 to index
        %get3A_221 = arith.constant 0 : index
        %get3A_222 = tpu.vector_load %arg5[%get3A_220, %get3A_221] {strides = array<i32>} : memref<66x64xf32, #tpu.memory_space<vmem>>, vector<1x16xf32>,
        %get3A_223 = vector.shape_cast %get3A_222 : vector<1x16xf32> to vector<16xf32>
        %get3A_224 = arith.constant 0 : i32
        %get3A_225 = arith.index_cast %get3A_224 : i32 to index
        %get3A_226 = arith.constant 0 : index
        %get3A_227 = tpu.vector_load %arg6[%get3A_225, %get3A_226] {strides = array<i32>} : memref<66x64xf32, #tpu.memory_space<vmem>>, vector<1x16xf32>,
        %get3A_228 = vector.shape_cast %get3A_227 : vector<1x16xf32> to vector<16xf32>
        %add3A_229 = arith.addf %get3A_223, %get3A_228 : vector<16xf32>
        %swap3A = arith.constant 0 : i32
        %swap3A_230 = arith.index_cast %swap3A : i32 to index
        %swap3A_231 = arith.constant 0 : index
        %swap3A_232 = tpu.vector_load %arg7[%swap3A_230, %swap3A_231] {strides = array<i32>} : memref<264x64xf32, #tpu.memory_space<vmem>>, vector<1x16xf32>,
        %swap3A_233 = vector.shape_cast %swap3A_232 : vector<1x16xf32> to vector<16xf32>
        %swap3A_234 = vector.shape_cast %add3A_229 : vector<16xf32> to vector<1x16xf32>
        tpu.vector_store %arg7[%swap3A_230, %swap3A_231], %swap3A_234 {strides = array<i32>} : memref<264x64xf32, #tpu.memory_space<vmem>>, vector<1x16xf32>,
        %get3A_235 = arith.constant 0 : i32
        %get3A_236 = arith.index_cast %get3A_235 : i32 to index
        %get3A_237 = arith.constant 16 : index
        %get3A_238 = tpu.vector_load %arg5[%get3A_236, %get3A_237] {strides = array<i32>} : memref<66x64xf32, #tpu.memory_space<vmem>>, vector<1x16xf32>,
        %get3A_239 = vector.shape_cast %get3A_238 : vector<1x16xf32> to vector<16xf32>
        %get3A_240 = arith.constant 0 : i32
        %get3A_241 = arith.index_cast %get3A_240 : i32 to index
        %get3A_242 = arith.constant 16 : index
        %get3A_243 = tpu.vector_load %arg6[%get3A_241, %get3A_242] {strides = array<i32>} : memref<66x64xf32, #tpu.memory_space<vmem>>, vector<1x16xf32>,
        %get3A_244 = vector.shape_cast %get3A_243 : vector<1x16xf32> to vector<16xf32>
        %add3A_245 = arith.addf %get3A_239, %get3A_244 : vector<16xf32>
        %swap3A_246 = arith.constant 0 : i32
        %swap3A_247 = arith.index_cast %swap3A_246 : i32 to index
        %swap3A_248 = arith.constant 16 : index
        %swap3A_249 = tpu.vector_load %arg7[%swap3A_247, %swap3A_248] {strides = array<i32>} : memref<264x64xf32, #tpu.memory_space<vmem>>, vector<1x16xf32>,
        %swap3A_250 = vector.shape_cast %swap3A_249 : vector<1x16xf32> to vector<16xf32>
        %swap3A_251 = vector.shape_cast %add3A_245 : vector<16xf32> to vector<1x16xf32>
        tpu.vector_store %arg7[%swap3A_247, %swap3A_248], %swap3A_251 {strides = array<i32>} : memref<264x64xf32, #tpu.memory_space<vmem>>, vector<1x16xf32>,
        %get3A_252 = arith.constant 0 : i32
        %get3A_253 = arith.index_cast %get3A_252 : i32 to index
        %get3A_254 = arith.constant 32 : index
        %get3A_255 = tpu.vector_load %arg5[%get3A_253, %get3A_254] {strides = array<i32>} : memref<66x64xf32, #tpu.memory_space<vmem>>, vector<1x16xf32>,
        %get3A_256 = vector.shape_cast %get3A_255 : vector<1x16xf32> to vector<16xf32>
        %get3A_257 = arith.constant 0 : i32
        %get3A_258 = arith.index_cast %get3A_257 : i32 to index
        %get3A_259 = arith.constant 32 : index
        %get3A_260 = tpu.vector_load %arg6[%get3A_258, %get3A_259] {strides = array<i32>} : memref<66x64xf32, #tpu.memory_space<vmem>>, vector<1x16xf32>,
        %get3A_261 = vector.shape_cast %get3A_260 : vector<1x16xf32> to vector<16xf32>
        %add3A_262 = arith.addf %get3A_256, %get3A_261 : vector<16xf32>
        %swap3A_263 = arith.constant 0 : i32
        %swap3A_264 = arith.index_cast %swap3A_263 : i32 to index
        %swap3A_265 = arith.constant 32 : index
        %swap3A_266 = tpu.vector_load %arg7[%swap3A_264, %swap3A_265] {strides = array<i32>} : memref<264x64xf32, #tpu.memory_space<vmem>>, vector<1x16xf32>,
        %swap3A_267 = vector.shape_cast %swap3A_266 : vector<1x16xf32> to vector<16xf32>
        %swap3A_268 = vector.shape_cast %add3A_262 : vector<16xf32> to vector<1x16xf32>
        tpu.vector_store %arg7[%swap3A_264, %swap3A_265], %swap3A_268 {strides = array<i32>} : memref<264x64xf32, #tpu.memory_space<vmem>>, vector<1x16xf32>,
        %get3A_269 = arith.constant 0 : i32
        %get3A_270 = arith.index_cast %get3A_269 : i32 to index
        %get3A_271 = arith.constant 48 : index
        %get3A_272 = tpu.vector_load %arg5[%get3A_270, %get3A_271] {strides = array<i32>} : memref<66x64xf32, #tpu.memory_space<vmem>>, vector<1x16xf32>,
        %get3A_273 = vector.shape_cast %get3A_272 : vector<1x16xf32> to vector<16xf32>
        %get3A_274 = arith.constant 0 : i32
        %get3A_275 = arith.index_cast %get3A_274 : i32 to index
        %get3A_276 = arith.constant 48 : index
        %get3A_277 = tpu.vector_load %arg6[%get3A_275, %get3A_276] {strides = array<i32>} : memref<66x64xf32, #tpu.memory_space<vmem>>, vector<1x16xf32>,
        %get3A_278 = vector.shape_cast %get3A_277 : vector<1x16xf32> to vector<16xf32>
        %add3A_279 = arith.addf %get3A_273, %get3A_278 : vector<16xf32>
        %swap3A_280 = arith.constant 0 : i32
        %swap3A_281 = arith.index_cast %swap3A_280 : i32 to index
        %swap3A_282 = arith.constant 48 : index
        %swap3A_283 = tpu.vector_load %arg7[%swap3A_281, %swap3A_282] {strides = array<i32>} : memref<264x64xf32, #tpu.memory_space<vmem>>, vector<1x16xf32>,
        %swap3A_284 = vector.shape_cast %swap3A_283 : vector<1x16xf32> to vector<16xf32>
        %swap3A_285 = vector.shape_cast %add3A_279 : vector<16xf32> to vector<1x16xf32>
        tpu.vector_store %arg7[%swap3A_281, %swap3A_282], %swap3A_285 {strides = array<i32>} : memref<264x64xf32, #tpu.memory_space<vmem>>, vector<1x16xf32>,
        %scan3A_286 = arith.constant 0 : i32
        %scan3A_287 = arith.constant 0 : i32
        %scan3A_288 = arith.constant 7 : i32
        %scan3A_289 = arith.addi %scan3A_287, %scan3A_288 : i32
        %scan3A_290 = arith.constant 1 : i32
        %scan3A_291 = scf.for %scan3A_320 = %scan3A_287 to %scan3A_289 step %scan3A_290 iter_args(%scan3A_321 = %scan3A_286) -> (i32)  : i32 {
          %add3A_322 = arith.constant 0 : i32
          %add3A_323 = arith.addi %sub3A_219, %add3A_322 : i32
          %add3A_324 = arith.addi %add3A_323, %scan3A_320 : i32
          %get3A_325 = arith.index_cast %add3A_324 : i32 to index
          %get3A_326 = arith.constant 0 : index
          %get3A_327 = tpu.vector_load %arg5[%get3A_325, %get3A_326] {strides = array<i32>} : memref<66x64xf32, #tpu.memory_space<vmem>>, vector<1x16xf32>,
          %get3A_328 = vector.shape_cast %get3A_327 : vector<1x16xf32> to vector<16xf32>
          %get3A_329 = arith.index_cast %add3A_324 : i32 to index
          %get3A_330 = arith.constant 16 : index
          %get3A_331 = tpu.vector_load %arg5[%get3A_329, %get3A_330] {strides = array<i32>} : memref<66x64xf32, #tpu.memory_space<vmem>>, vector<1x16xf32>,
          %get3A_332 = vector.shape_cast %get3A_331 : vector<1x16xf32> to vector<16xf32>
          %get3A_333 = arith.index_cast %add3A_324 : i32 to index
          %get3A_334 = arith.constant 32 : index
          %get3A_335 = tpu.vector_load %arg5[%get3A_333, %get3A_334] {strides = array<i32>} : memref<66x64xf32, #tpu.memory_space<vmem>>, vector<1x16xf32>,
          %get3A_336 = vector.shape_cast %get3A_335 : vector<1x16xf32> to vector<16xf32>
          %get3A_337 = arith.index_cast %add3A_324 : i32 to index
          %get3A_338 = arith.constant 48 : index
          %get3A_339 = tpu.vector_load %arg5[%get3A_337, %get3A_338] {strides = array<i32>} : memref<66x64xf32, #tpu.memory_space<vmem>>, vector<1x16xf32>,
          %get3A_340 = vector.shape_cast %get3A_339 : vector<1x16xf32> to vector<16xf32>
          %mul3A_341 = arith.constant 32 : i32
          %mul3A_342 = arith.muli %mul3A_341, %scan3A_320 : i32
          %add3A_343 = arith.constant 1 : i32
          %add3A_344 = arith.addi %add3A_343, %mul3A_342 : i32
          %scan3A_345 = arith.constant 0 : i32
          %scan3A_346 = arith.constant 0 : i32
          %scan3A_347 = arith.constant 32 : i32
          %scan3A_348 = arith.addi %scan3A_346, %scan3A_347 : i32
          %scan3A_349 = arith.constant 1 : i32
          %scan3A_350 = scf.for %scan3A_353 = %scan3A_346 to %scan3A_348 step %scan3A_349 iter_args(%scan3A_354 = %scan3A_345) -> (i32)  : i32 {
            %add3A_355 = arith.addi %sub3A_217, %scan3A_353 : i32
            %get3A_356 = arith.index_cast %add3A_355 : i32 to index
            %get3A_357 = arith.constant 0 : index
            %get3A_358 = tpu.vector_load %arg6[%get3A_356, %get3A_357] {strides = array<i32>} : memref<66x64xf32, #tpu.memory_space<vmem>>, vector<1x16xf32>,
            %get3A_359 = vector.shape_cast %get3A_358 : vector<1x16xf32> to vector<16xf32>
            %add3A_360 = arith.addf %get3A_328, %get3A_359 : vector<16xf32>
            %add3A_361 = arith.addi %add3A_344, %scan3A_353 : i32
            %swap3A_362 = arith.index_cast %add3A_361 : i32 to index
            %swap3A_363 = arith.constant 0 : index
            %swap3A_364 = tpu.vector_load %arg7[%swap3A_362, %swap3A_363] {strides = array<i32>} : memref<264x64xf32, #tpu.memory_space<vmem>>, vector<1x16xf32>,
            %swap3A_365 = vector.shape_cast %swap3A_364 : vector<1x16xf32> to vector<16xf32>
            %swap3A_366 = vector.shape_cast %add3A_360 : vector<16xf32> to vector<1x16xf32>
            tpu.vector_store %arg7[%swap3A_362, %swap3A_363], %swap3A_366 {strides = array<i32>} : memref<264x64xf32, #tpu.memory_space<vmem>>, vector<1x16xf32>,
            %add3A_367 = arith.addi %sub3A_217, %scan3A_353 : i32
            %get3A_368 = arith.index_cast %add3A_367 : i32 to index
            %get3A_369 = arith.constant 16 : index
            %get3A_370 = tpu.vector_load %arg6[%get3A_368, %get3A_369] {strides = array<i32>} : memref<66x64xf32, #tpu.memory_space<vmem>>, vector<1x16xf32>,
            %get3A_371 = vector.shape_cast %get3A_370 : vector<1x16xf32> to vector<16xf32>
            %add3A_372 = arith.addf %get3A_332, %get3A_371 : vector<16xf32>
            %add3A_373 = arith.addi %add3A_344, %scan3A_353 : i32
            %swap3A_374 = arith.index_cast %add3A_373 : i32 to index
            %swap3A_375 = arith.constant 16 : index
            %swap3A_376 = tpu.vector_load %arg7[%swap3A_374, %swap3A_375] {strides = array<i32>} : memref<264x64xf32, #tpu.memory_space<vmem>>, vector<1x16xf32>,
            %swap3A_377 = vector.shape_cast %swap3A_376 : vector<1x16xf32> to vector<16xf32>
            %swap3A_378 = vector.shape_cast %add3A_372 : vector<16xf32> to vector<1x16xf32>
            tpu.vector_store %arg7[%swap3A_374, %swap3A_375], %swap3A_378 {strides = array<i32>} : memref<264x64xf32, #tpu.memory_space<vmem>>, vector<1x16xf32>,
            %add3A_379 = arith.addi %sub3A_217, %scan3A_353 : i32
            %get3A_380 = arith.index_cast %add3A_379 : i32 to index
            %get3A_381 = arith.constant 32 : index
            %get3A_382 = tpu.vector_load %arg6[%get3A_380, %get3A_381] {strides = array<i32>} : memref<66x64xf32, #tpu.memory_space<vmem>>, vector<1x16xf32>,
            %get3A_383 = vector.shape_cast %get3A_382 : vector<1x16xf32> to vector<16xf32>
            %add3A_384 = arith.addf %get3A_336, %get3A_383 : vector<16xf32>
            %add3A_385 = arith.addi %add3A_344, %scan3A_353 : i32
            %swap3A_386 = arith.index_cast %add3A_385 : i32 to index
            %swap3A_387 = arith.constant 32 : index
            %swap3A_388 = tpu.vector_load %arg7[%swap3A_386, %swap3A_387] {strides = array<i32>} : memref<264x64xf32, #tpu.memory_space<vmem>>, vector<1x16xf32>,
            %swap3A_389 = vector.shape_cast %swap3A_388 : vector<1x16xf32> to vector<16xf32>
            %swap3A_390 = vector.shape_cast %add3A_384 : vector<16xf32> to vector<1x16xf32>
            tpu.vector_store %arg7[%swap3A_386, %swap3A_387], %swap3A_390 {strides = array<i32>} : memref<264x64xf32, #tpu.memory_space<vmem>>, vector<1x16xf32>,
            %add3A_391 = arith.addi %sub3A_217, %scan3A_353 : i32
            %get3A_392 = arith.index_cast %add3A_391 : i32 to index
            %get3A_393 = arith.constant 48 : index
            %get3A_394 = tpu.vector_load %arg6[%get3A_392, %get3A_393] {strides = array<i32>} : memref<66x64xf32, #tpu.memory_space<vmem>>, vector<1x16xf32>,
            %get3A_395 = vector.shape_cast %get3A_394 : vector<1x16xf32> to vector<16xf32>
            %add3A_396 = arith.addf %get3A_340, %get3A_395 : vector<16xf32>
            %add3A_397 = arith.addi %add3A_344, %scan3A_353 : i32
            %swap3A_398 = arith.index_cast %add3A_397 : i32 to index
            %swap3A_399 = arith.constant 48 : index
            %swap3A_400 = tpu.vector_load %arg7[%swap3A_398, %swap3A_399] {strides = array<i32>} : memref<264x64xf32, #tpu.memory_space<vmem>>, vector<1x16xf32>,
            %swap3A_401 = vector.shape_cast %swap3A_400 : vector<1x16xf32> to vector<16xf32>
            %swap3A_402 = vector.shape_cast %add3A_396 : vector<16xf32> to vector<1x16xf32>
            tpu.vector_store %arg7[%swap3A_398, %swap3A_399], %swap3A_402 {strides = array<i32>} : memref<264x64xf32, #tpu.memory_space<vmem>>, vector<1x16xf32>,
            %scan3A_403 = arith.constant 0 : i32
            scf.yield %scan3A_403 : i32
          }
          %scan3A_351 = arith.constant 32 : i32
          %scan3A_352 = arith.constant 0 : i32
          scf.yield %scan3A_352 : i32
        }
        %scan3A_292 = arith.constant 7 : i32
        %add3A_293 = arith.constant 0 : i32
        %add3A_294 = arith.addi %sub3A_219, %add3A_293 : i32
        %add3A_295 = arith.constant 7 : i32
        %add3A_296 = arith.addi %add3A_294, %add3A_295 : i32
        %get3A_297 = arith.index_cast %add3A_296 : i32 to index
        %get3A_298 = arith.constant 0 : index
        %get3A_299 = tpu.vector_load %arg5[%get3A_297, %get3A_298] {strides = array<i32>} : memref<66x64xf32, #tpu.memory_space<vmem>>, vector<1x16xf32>,
        %get3A_300 = vector.shape_cast %get3A_299 : vector<1x16xf32> to vector<16xf32>
        %get3A_301 = arith.index_cast %add3A_296 : i32 to index
        %get3A_302 = arith.constant 16 : index
        %get3A_303 = tpu.vector_load %arg5[%get3A_301, %get3A_302] {strides = array<i32>} : memref<66x64xf32, #tpu.memory_space<vmem>>, vector<1x16xf32>,
        %get3A_304 = vector.shape_cast %get3A_303 : vector<1x16xf32> to vector<16xf32>
        %get3A_305 = arith.index_cast %add3A_296 : i32 to index
        %get3A_306 = arith.constant 32 : index
        %get3A_307 = tpu.vector_load %arg5[%get3A_305, %get3A_306] {strides = array<i32>} : memref<66x64xf32, #tpu.memory_space<vmem>>, vector<1x16xf32>,
        %get3A_308 = vector.shape_cast %get3A_307 : vector<1x16xf32> to vector<16xf32>
        %get3A_309 = arith.index_cast %add3A_296 : i32 to index
        %get3A_310 = arith.constant 48 : index
        %get3A_311 = tpu.vector_load %arg5[%get3A_309, %get3A_310] {strides = array<i32>} : memref<66x64xf32, #tpu.memory_space<vmem>>, vector<1x16xf32>,
        %get3A_312 = vector.shape_cast %get3A_311 : vector<1x16xf32> to vector<16xf32>
        %scan3A_313 = arith.constant 0 : i32
        %scan3A_314 = arith.constant 0 : i32
        %scan3A_315 = arith.constant 31 : i32
        %scan3A_316 = arith.addi %scan3A_314, %scan3A_315 : i32
        %scan3A_317 = arith.constant 1 : i32
        %scan3A_318 = scf.for %scan3A_320 = %scan3A_314 to %scan3A_316 step %scan3A_317 iter_args(%scan3A_321 = %scan3A_313) -> (i32)  : i32 {
          %add3A_322 = arith.addi %sub3A_217, %scan3A_320 : i32
          %get3A_323 = arith.index_cast %add3A_322 : i32 to index
          %get3A_324 = arith.constant 0 : index
          %get3A_325 = tpu.vector_load %arg6[%get3A_323, %get3A_324] {strides = array<i32>} : memref<66x64xf32, #tpu.memory_space<vmem>>, vector<1x16xf32>,
          %get3A_326 = vector.shape_cast %get3A_325 : vector<1x16xf32> to vector<16xf32>
          %add3A_327 = arith.addf %get3A_300, %get3A_326 : vector<16xf32>
          %add3A_328 = arith.constant 225 : i32
          %add3A_329 = arith.addi %add3A_328, %scan3A_320 : i32
          %swap3A_330 = arith.index_cast %add3A_329 : i32 to index
          %swap3A_331 = arith.constant 0 : index
          %swap3A_332 = tpu.vector_load %arg7[%swap3A_330, %swap3A_331] {strides = array<i32>} : memref<264x64xf32, #tpu.memory_space<vmem>>, vector<1x16xf32>,
          %swap3A_333 = vector.shape_cast %swap3A_332 : vector<1x16xf32> to vector<16xf32>
          %swap3A_334 = vector.shape_cast %add3A_327 : vector<16xf32> to vector<1x16xf32>
          tpu.vector_store %arg7[%swap3A_330, %swap3A_331], %swap3A_334 {strides = array<i32>} : memref<264x64xf32, #tpu.memory_space<vmem>>, vector<1x16xf32>,
          %add3A_335 = arith.addi %sub3A_217, %scan3A_320 : i32
          %get3A_336 = arith.index_cast %add3A_335 : i32 to index
          %get3A_337 = arith.constant 16 : index
          %get3A_338 = tpu.vector_load %arg6[%get3A_336, %get3A_337] {strides = array<i32>} : memref<66x64xf32, #tpu.memory_space<vmem>>, vector<1x16xf32>,
          %get3A_339 = vector.shape_cast %get3A_338 : vector<1x16xf32> to vector<16xf32>
          %add3A_340 = arith.addf %get3A_304, %get3A_339 : vector<16xf32>
          %add3A_341 = arith.constant 225 : i32
          %add3A_342 = arith.addi %add3A_341, %scan3A_320 : i32
          %swap3A_343 = arith.index_cast %add3A_342 : i32 to index
          %swap3A_344 = arith.constant 16 : index
          %swap3A_345 = tpu.vector_load %arg7[%swap3A_343, %swap3A_344] {strides = array<i32>} : memref<264x64xf32, #tpu.memory_space<vmem>>, vector<1x16xf32>,
          %swap3A_346 = vector.shape_cast %swap3A_345 : vector<1x16xf32> to vector<16xf32>
          %swap3A_347 = vector.shape_cast %add3A_340 : vector<16xf32> to vector<1x16xf32>
          tpu.vector_store %arg7[%swap3A_343, %swap3A_344], %swap3A_347 {strides = array<i32>} : memref<264x64xf32, #tpu.memory_space<vmem>>, vector<1x16xf32>,
          %add3A_348 = arith.addi %sub3A_217, %scan3A_320 : i32
          %get3A_349 = arith.index_cast %add3A_348 : i32 to index
          %get3A_350 = arith.constant 32 : index
          %get3A_351 = tpu.vector_load %arg6[%get3A_349, %get3A_350] {strides = array<i32>} : memref<66x64xf32, #tpu.memory_space<vmem>>, vector<1x16xf32>,
          %get3A_352 = vector.shape_cast %get3A_351 : vector<1x16xf32> to vector<16xf32>
          %add3A_353 = arith.addf %get3A_308, %get3A_352 : vector<16xf32>
          %add3A_354 = arith.constant 225 : i32
          %add3A_355 = arith.addi %add3A_354, %scan3A_320 : i32
          %swap3A_356 = arith.index_cast %add3A_355 : i32 to index
          %swap3A_357 = arith.constant 32 : index
          %swap3A_358 = tpu.vector_load %arg7[%swap3A_356, %swap3A_357] {strides = array<i32>} : memref<264x64xf32, #tpu.memory_space<vmem>>, vector<1x16xf32>,
          %swap3A_359 = vector.shape_cast %swap3A_358 : vector<1x16xf32> to vector<16xf32>
          %swap3A_360 = vector.shape_cast %add3A_353 : vector<16xf32> to vector<1x16xf32>
          tpu.vector_store %arg7[%swap3A_356, %swap3A_357], %swap3A_360 {strides = array<i32>} : memref<264x64xf32, #tpu.memory_space<vmem>>, vector<1x16xf32>,
          %add3A_361 = arith.addi %sub3A_217, %scan3A_320 : i32
          %get3A_362 = arith.index_cast %add3A_361 : i32 to index
          %get3A_363 = arith.constant 48 : index
          %get3A_364 = tpu.vector_load %arg6[%get3A_362, %get3A_363] {strides = array<i32>} : memref<66x64xf32, #tpu.memory_space<vmem>>, vector<1x16xf32>,
          %get3A_365 = vector.shape_cast %get3A_364 : vector<1x16xf32> to vector<16xf32>
          %add3A_366 = arith.addf %get3A_312, %get3A_365 : vector<16xf32>
          %add3A_367 = arith.constant 225 : i32
          %add3A_368 = arith.addi %add3A_367, %scan3A_320 : i32
          %swap3A_369 = arith.index_cast %add3A_368 : i32 to index
          %swap3A_370 = arith.constant 48 : index
          %swap3A_371 = tpu.vector_load %arg7[%swap3A_369, %swap3A_370] {strides = array<i32>} : memref<264x64xf32, #tpu.memory_space<vmem>>, vector<1x16xf32>,
          %swap3A_372 = vector.shape_cast %swap3A_371 : vector<1x16xf32> to vector<16xf32>
          %swap3A_373 = vector.shape_cast %add3A_366 : vector<16xf32> to vector<1x16xf32>
          tpu.vector_store %arg7[%swap3A_369, %swap3A_370], %swap3A_373 {strides = array<i32>} : memref<264x64xf32, #tpu.memory_space<vmem>>, vector<1x16xf32>,
          %scan3A_374 = arith.constant 0 : i32
          scf.yield %scan3A_374 : i32
        }
        %scan3A_319 = arith.constant 31 : i32
      } else {
      }
      %eq3A_69 = arith.constant 0 : i32
      %eq3A_70 = arith.cmpi eq, %add3A_57, %eq3A_69 : i32
      %convert_element_type3A_71 = arith.extui %eq3A_70 : i1 to i32
      %cond3A_72 = arith.constant 0 : i32
      %cond3A_73 = arith.cmpi ne, %convert_element_type3A_71, %cond3A_72 : i32
      scf.if %cond3A_73 {
        %get3A = arith.constant 0 : i32
        %get3A_195 = arith.index_cast %get3A : i32 to index
        %get3A_196 = arith.constant 0 : index
        %get3A_197 = tpu.vector_load %arg5[%get3A_195, %get3A_196] {strides = array<i32>} : memref<66x64xf32, #tpu.memory_space<vmem>>, vector<1x16xf32>,
        %get3A_198 = vector.shape_cast %get3A_197 : vector<1x16xf32> to vector<16xf32>
        %get3A_199 = arith.constant 0 : i32
        %get3A_200 = arith.index_cast %get3A_199 : i32 to index
        %get3A_201 = arith.constant 0 : index
        %get3A_202 = tpu.vector_load %arg6[%get3A_200, %get3A_201] {strides = array<i32>} : memref<66x64xf32, #tpu.memory_space<vmem>>, vector<1x16xf32>,
        %get3A_203 = vector.shape_cast %get3A_202 : vector<1x16xf32> to vector<16xf32>
        %add3A_204 = arith.addf %get3A_198, %get3A_203 : vector<16xf32>
        %get3A_205 = arith.constant 0 : i32
        %get3A_206 = arith.index_cast %get3A_205 : i32 to index
        %get3A_207 = arith.constant 16 : index
        %get3A_208 = tpu.vector_load %arg5[%get3A_206, %get3A_207] {strides = array<i32>} : memref<66x64xf32, #tpu.memory_space<vmem>>, vector<1x16xf32>,
        %get3A_209 = vector.shape_cast %get3A_208 : vector<1x16xf32> to vector<16xf32>
        %get3A_210 = arith.constant 0 : i32
        %get3A_211 = arith.index_cast %get3A_210 : i32 to index
        %get3A_212 = arith.constant 16 : index
        %get3A_213 = tpu.vector_load %arg6[%get3A_211, %get3A_212] {strides = array<i32>} : memref<66x64xf32, #tpu.memory_space<vmem>>, vector<1x16xf32>,
        %get3A_214 = vector.shape_cast %get3A_213 : vector<1x16xf32> to vector<16xf32>
        %add3A_215 = arith.addf %get3A_209, %get3A_214 : vector<16xf32>
        %get3A_216 = arith.constant 0 : i32
        %get3A_217 = arith.index_cast %get3A_216 : i32 to index
        %get3A_218 = arith.constant 32 : index
        %get3A_219 = tpu.vector_load %arg5[%get3A_217, %get3A_218] {strides = array<i32>} : memref<66x64xf32, #tpu.memory_space<vmem>>, vector<1x16xf32>,
        %get3A_220 = vector.shape_cast %get3A_219 : vector<1x16xf32> to vector<16xf32>
        %get3A_221 = arith.constant 0 : i32
        %get3A_222 = arith.index_cast %get3A_221 : i32 to index
        %get3A_223 = arith.constant 32 : index
        %get3A_224 = tpu.vector_load %arg6[%get3A_222, %get3A_223] {strides = array<i32>} : memref<66x64xf32, #tpu.memory_space<vmem>>, vector<1x16xf32>,
        %get3A_225 = vector.shape_cast %get3A_224 : vector<1x16xf32> to vector<16xf32>
        %add3A_226 = arith.addf %get3A_220, %get3A_225 : vector<16xf32>
        %get3A_227 = arith.constant 0 : i32
        %get3A_228 = arith.index_cast %get3A_227 : i32 to index
        %get3A_229 = arith.constant 48 : index
        %get3A_230 = tpu.vector_load %arg5[%get3A_228, %get3A_229] {strides = array<i32>} : memref<66x64xf32, #tpu.memory_space<vmem>>, vector<1x16xf32>,
        %get3A_231 = vector.shape_cast %get3A_230 : vector<1x16xf32> to vector<16xf32>
        %get3A_232 = arith.constant 0 : i32
        %get3A_233 = arith.index_cast %get3A_232 : i32 to index
        %get3A_234 = arith.constant 48 : index
        %get3A_235 = tpu.vector_load %arg6[%get3A_233, %get3A_234] {strides = array<i32>} : memref<66x64xf32, #tpu.memory_space<vmem>>, vector<1x16xf32>,
        %get3A_236 = vector.shape_cast %get3A_235 : vector<1x16xf32> to vector<16xf32>
        %add3A_237 = arith.addf %get3A_231, %get3A_236 : vector<16xf32>
        %scan3A_238 = arith.constant 0 : i32
        %scan3A_239 = arith.constant 0 : i32
        %scan3A_240 = arith.constant 257 : i32
        %scan3A_241 = arith.addi %scan3A_239, %scan3A_240 : i32
        %scan3A_242 = arith.constant 1 : i32
        %scan3A_243 = scf.for %scan3A_245 = %scan3A_239 to %scan3A_241 step %scan3A_242 iter_args(%scan3A_246 = %scan3A_238) -> (i32)  : i32 {
          %swap3A = arith.index_cast %scan3A_245 : i32 to index
          %swap3A_247 = arith.constant 0 : index
          %swap3A_248 = tpu.vector_load %arg7[%swap3A, %swap3A_247] {strides = array<i32>} : memref<264x64xf32, #tpu.memory_space<vmem>>, vector<1x16xf32>,
          %swap3A_249 = vector.shape_cast %swap3A_248 : vector<1x16xf32> to vector<16xf32>
          %swap3A_250 = vector.shape_cast %add3A_204 : vector<16xf32> to vector<1x16xf32>
          tpu.vector_store %arg7[%swap3A, %swap3A_247], %swap3A_250 {strides = array<i32>} : memref<264x64xf32, #tpu.memory_space<vmem>>, vector<1x16xf32>,
          %swap3A_251 = arith.index_cast %scan3A_245 : i32 to index
          %swap3A_252 = arith.constant 16 : index
          %swap3A_253 = tpu.vector_load %arg7[%swap3A_251, %swap3A_252] {strides = array<i32>} : memref<264x64xf32, #tpu.memory_space<vmem>>, vector<1x16xf32>,
          %swap3A_254 = vector.shape_cast %swap3A_253 : vector<1x16xf32> to vector<16xf32>
          %swap3A_255 = vector.shape_cast %add3A_215 : vector<16xf32> to vector<1x16xf32>
          tpu.vector_store %arg7[%swap3A_251, %swap3A_252], %swap3A_255 {strides = array<i32>} : memref<264x64xf32, #tpu.memory_space<vmem>>, vector<1x16xf32>,
          %swap3A_256 = arith.index_cast %scan3A_245 : i32 to index
          %swap3A_257 = arith.constant 32 : index
          %swap3A_258 = tpu.vector_load %arg7[%swap3A_256, %swap3A_257] {strides = array<i32>} : memref<264x64xf32, #tpu.memory_space<vmem>>, vector<1x16xf32>,
          %swap3A_259 = vector.shape_cast %swap3A_258 : vector<1x16xf32> to vector<16xf32>
          %swap3A_260 = vector.shape_cast %add3A_226 : vector<16xf32> to vector<1x16xf32>
          tpu.vector_store %arg7[%swap3A_256, %swap3A_257], %swap3A_260 {strides = array<i32>} : memref<264x64xf32, #tpu.memory_space<vmem>>, vector<1x16xf32>,
          %swap3A_261 = arith.index_cast %scan3A_245 : i32 to index
          %swap3A_262 = arith.constant 48 : index
          %swap3A_263 = tpu.vector_load %arg7[%swap3A_261, %swap3A_262] {strides = array<i32>} : memref<264x64xf32, #tpu.memory_space<vmem>>, vector<1x16xf32>,
          %swap3A_264 = vector.shape_cast %swap3A_263 : vector<1x16xf32> to vector<16xf32>
          %swap3A_265 = vector.shape_cast %add3A_237 : vector<16xf32> to vector<1x16xf32>
          tpu.vector_store %arg7[%swap3A_261, %swap3A_262], %swap3A_265 {strides = array<i32>} : memref<264x64xf32, #tpu.memory_space<vmem>>, vector<1x16xf32>,
          %scan3A_266 = arith.constant 0 : i32
          scf.yield %scan3A_266 : i32
        }
        %scan3A_244 = arith.constant 257 : i32
      } else {
      }
      %dma_start3A = arith.constant 0 : i32
      %dma_start3A_74 = arith.constant 0 : i32
      %dma_start3A_75 = tpu.memref_slice %arg7[%dma_start3A, %dma_start3A_74] : memref<264x64xf32, #tpu.memory_space<vmem>> -> memref<256x64xf32, #tpu.memory_space<vmem>>
      %dma_start3A_76 = arith.constant 0 : i32
      %dma_start3A_77 = arith.constant 0 : i32
      %dma_start3A_78 = tpu.memref_slice %arg4[%add3A_57, %dma_start3A_76, %dma_start3A_77] : memref<1025x1025x64xf32, #tpu.memory_space<hbm>> -> memref<1x256x64xf32, #tpu.memory_space<hbm>>
      %dma_start3A_79 = tpu.memref_squeeze %dma_start3A_78 : memref<1x256x64xf32, #tpu.memory_space<hbm>> -> memref<256x64xf32, #tpu.memory_space<hbm>>
      %dma_start3A_80 = arith.constant 0 : i32
      %dma_start3A_81 = arith.constant 0 : i32
      %dma_start3A_82 = tpu.memref_slice %arg4[%add3A_57, %dma_start3A_80, %dma_start3A_81] : memref<1025x1025x64xf32, #tpu.memory_space<hbm>> -> memref<1x256x64xf32, #tpu.memory_space<hbm>>
      %dma_start3A_83 = tpu.memref_squeeze %dma_start3A_82 : memref<1x256x64xf32, #tpu.memory_space<hbm>> -> memref<256x64xf32, #tpu.memory_space<hbm>>
      %dma_start3A_84 = arith.constant 0 : i32
      %dma_start3A_85 = arith.constant 0 : i32
      %dma_start3A_86 = tpu.memref_slice %arg7[%dma_start3A_84, %dma_start3A_85] : memref<264x64xf32, #tpu.memory_space<vmem>> -> memref<256x64xf32, #tpu.memory_space<vmem>>
      tpu.enqueue_dma source(%dma_start3A_86 : memref<256x64xf32, #tpu.memory_space<vmem>>) target(%dma_start3A_83 : memref<256x64xf32, #tpu.memory_space<hbm>>) target_semaphore(%arg9 : memref<!tpu.dma_semaphore, #tpu.memory_space<semaphore_mem>>)
      %not3A_87 = arith.constant true
      %not3A_88 = arith.xori %eq3A_59, %not3A_87 : i1
      %or3A_89 = arith.constant false
      %or3A_90 = arith.ori %not3A_88, %or3A_89 : i1
      %convert_element_type3A_91 = arith.extui %or3A_90 : i1 to i32
      %cond3A_92 = arith.constant 0 : i32
      %cond3A_93 = arith.cmpi ne, %convert_element_type3A_91, %cond3A_92 : i32
      scf.if %cond3A_93 {
        %dma_wait3A_195 = arith.constant 0 : i32
        %dma_wait3A_196 = arith.constant 0 : i32
        %dma_wait3A_197 = arith.constant 0 : i32
        %dma_wait3A_198 = tpu.memref_slice %arg8[%dma_wait3A_196, %dma_wait3A_197] : memref<264x64xf32, #tpu.memory_space<vmem>> -> memref<256x64xf32, #tpu.memory_space<vmem>>
        %dma_wait3A_199 = arith.constant 0 : i32
        %dma_wait3A_200 = arith.constant 0 : i32
        %dma_wait3A_201 = tpu.memref_slice %arg4[%dma_wait3A_195, %dma_wait3A_199, %dma_wait3A_200] : memref<1025x1025x64xf32, #tpu.memory_space<hbm>> -> memref<1x256x64xf32, #tpu.memory_space<hbm>>
        %dma_wait3A_202 = tpu.memref_squeeze %dma_wait3A_201 : memref<1x256x64xf32, #tpu.memory_space<hbm>> -> memref<256x64xf32, #tpu.memory_space<hbm>>
        %dma_wait3A_203 = arith.constant 0 : i32
        %dma_wait3A_204 = arith.constant 0 : i32
        %dma_wait3A_205 = tpu.memref_slice %arg4[%dma_wait3A_195, %dma_wait3A_203, %dma_wait3A_204] : memref<1025x1025x64xf32, #tpu.memory_space<hbm>> -> memref<1x256x64xf32, #tpu.memory_space<hbm>>
        %dma_wait3A_206 = tpu.memref_squeeze %dma_wait3A_205 : memref<1x256x64xf32, #tpu.memory_space<hbm>> -> memref<256x64xf32, #tpu.memory_space<hbm>>
        %dma_wait3A_207 = arith.constant 0 : i32
        %dma_wait3A_208 = arith.constant 0 : i32
        %dma_wait3A_209 = tpu.memref_slice %arg8[%dma_wait3A_207, %dma_wait3A_208] : memref<264x64xf32, #tpu.memory_space<vmem>> -> memref<256x64xf32, #tpu.memory_space<vmem>>
        tpu.wait_dma2 semaphore(%arg10 : memref<!tpu.dma_semaphore, #tpu.memory_space<semaphore_mem>>) src(%dma_wait3A_209 : memref<256x64xf32, #tpu.memory_space<vmem>>) dst(%dma_wait3A_206 : memref<256x64xf32, #tpu.memory_space<hbm>>)
        %dma_wait3A_210 = arith.constant 0 : i32
        %dma_wait3A_211 = arith.constant 256 : i32
        %dma_wait3A_212 = arith.constant 0 : i32
        %dma_wait3A_213 = tpu.memref_slice %arg8[%dma_wait3A_211, %dma_wait3A_212] : memref<264x64xf32, #tpu.memory_space<vmem>> -> memref<1x64xf32, #tpu.memory_space<vmem>>
        %dma_wait3A_214 = arith.constant 1024 : i32
        %dma_wait3A_215 = arith.constant 0 : i32
        %dma_wait3A_216 = tpu.memref_slice %arg4[%dma_wait3A_210, %dma_wait3A_214, %dma_wait3A_215] : memref<1025x1025x64xf32, #tpu.memory_space<hbm>> -> memref<1x1x64xf32, #tpu.memory_space<hbm>>
        %dma_wait3A_217 = tpu.memref_squeeze %dma_wait3A_216 : memref<1x1x64xf32, #tpu.memory_space<hbm>> -> memref<1x64xf32, #tpu.memory_space<hbm>>
        %dma_wait3A_218 = arith.constant 1024 : i32
        %dma_wait3A_219 = arith.constant 0 : i32
        %dma_wait3A_220 = tpu.memref_slice %arg4[%dma_wait3A_210, %dma_wait3A_218, %dma_wait3A_219] : memref<1025x1025x64xf32, #tpu.memory_space<hbm>> -> memref<1x1x64xf32, #tpu.memory_space<hbm>>
        %dma_wait3A_221 = tpu.memref_squeeze %dma_wait3A_220 : memref<1x1x64xf32, #tpu.memory_space<hbm>> -> memref<1x64xf32, #tpu.memory_space<hbm>>
        %dma_wait3A_222 = arith.constant 256 : i32
        %dma_wait3A_223 = arith.constant 0 : i32
        %dma_wait3A_224 = tpu.memref_slice %arg8[%dma_wait3A_222, %dma_wait3A_223] : memref<264x64xf32, #tpu.memory_space<vmem>> -> memref<1x64xf32, #tpu.memory_space<vmem>>
        tpu.wait_dma2 semaphore(%arg10 : memref<!tpu.dma_semaphore, #tpu.memory_space<semaphore_mem>>) src(%dma_wait3A_224 : memref<1x64xf32, #tpu.memory_space<vmem>>) dst(%dma_wait3A_221 : memref<1x64xf32, #tpu.memory_space<hbm>>)
      } else {
      }
      %lt3A_94 = arith.constant 0 : i32
      %lt3A_95 = arith.cmpi slt, %add3A_57, %lt3A_94 : i32
      %convert_element_type3A_96 = arith.extui %lt3A_95 : i1 to i32
      %cond3A_97 = arith.constant 0 : i32
      %cond3A_98 = arith.cmpi ne, %convert_element_type3A_96, %cond3A_97 : i32
      scf.if %cond3A_98 {
        %sub3A = arith.constant 1 : i32
        %sub3A_195 = arith.subi %add3A_57, %sub3A : i32
        %jit3A = arith.constant 32 : i32
        %div3A = arith.divsi %sub3A_195, %jit3A : i32
        %sign3A = arith.constant 0 : i32
        %sign3A_196 = arith.cmpi sgt, %sub3A_195, %sign3A : i32
        %sign3A_197 = arith.extui %sign3A_196 : i1 to i32
        %sign3A_198 = arith.constant 0 : i32
        %sign3A_199 = arith.cmpi slt, %sub3A_195, %sign3A_198 : i32
        %sign3A_200 = arith.extui %sign3A_199 : i1 to i32
        %sign3A_201 = arith.subi %sign3A_197, %sign3A_200 : i32
        %sign3A_202 = arith.constant 0 : i32
        %sign3A_203 = arith.cmpi sgt, %jit3A, %sign3A_202 : i32
        %sign3A_204 = arith.extui %sign3A_203 : i1 to i32
        %sign3A_205 = arith.constant 0 : i32
        %sign3A_206 = arith.cmpi slt, %jit3A, %sign3A_205 : i32
        %sign3A_207 = arith.extui %sign3A_206 : i1 to i32
        %sign3A_208 = arith.subi %sign3A_204, %sign3A_207 : i32
        %ne3A = arith.cmpi ne, %sign3A_201, %sign3A_208 : i32
        %rem3A = arith.remsi %sub3A_195, %jit3A : i32
        %ne3A_209 = arith.constant 0 : i32
        %ne3A_210 = arith.cmpi ne, %rem3A, %ne3A_209 : i32
        %and3A = arith.andi %ne3A, %ne3A_210 : i1
        %sub3A_211 = arith.constant 1 : i32
        %sub3A_212 = arith.subi %div3A, %sub3A_211 : i32
        %select_n3A = arith.select %and3A, %sub3A_212, %div3A : i32
        %mul3A_213 = arith.constant 32 : i32
        %mul3A_214 = arith.muli %select_n3A, %mul3A_213 : i32
        %sub3A_215 = arith.subi %sub3A_195, %mul3A_214 : i32
        %sub3A_216 = arith.constant 33 : i32
        %sub3A_217 = arith.subi %sub3A_216, %sub3A_215 : i32
        %sub3A_218 = arith.constant 33 : i32
        %sub3A_219 = arith.subi %sub3A_218, %select_n3A : i32
        %add3A_220 = arith.constant 7 : i32
        %add3A_221 = arith.addi %sub3A_219, %add3A_220 : i32
        %get3A = arith.index_cast %add3A_221 : i32 to index
        %get3A_222 = arith.constant 0 : index
        %get3A_223 = tpu.vector_load %arg5[%get3A, %get3A_222] {strides = array<i32>} : memref<66x64xf32, #tpu.memory_space<vmem>>, vector<1x16xf32>,
        %get3A_224 = vector.shape_cast %get3A_223 : vector<1x16xf32> to vector<16xf32>
        %add3A_225 = arith.constant 31 : i32
        %add3A_226 = arith.addi %sub3A_217, %add3A_225 : i32
        %get3A_227 = arith.index_cast %add3A_226 : i32 to index
        %get3A_228 = arith.constant 0 : index
        %get3A_229 = tpu.vector_load %arg6[%get3A_227, %get3A_228] {strides = array<i32>} : memref<66x64xf32, #tpu.memory_space<vmem>>, vector<1x16xf32>,
        %get3A_230 = vector.shape_cast %get3A_229 : vector<1x16xf32> to vector<16xf32>
        %add3A_231 = arith.addf %get3A_224, %get3A_230 : vector<16xf32>
        %swap3A = arith.constant 0 : i32
        %swap3A_232 = arith.index_cast %swap3A : i32 to index
        %swap3A_233 = arith.constant 0 : index
        %swap3A_234 = tpu.vector_load %arg8[%swap3A_232, %swap3A_233] {strides = array<i32>} : memref<264x64xf32, #tpu.memory_space<vmem>>, vector<1x16xf32>,
        %swap3A_235 = vector.shape_cast %swap3A_234 : vector<1x16xf32> to vector<16xf32>
        %swap3A_236 = vector.shape_cast %add3A_231 : vector<16xf32> to vector<1x16xf32>
        tpu.vector_store %arg8[%swap3A_232, %swap3A_233], %swap3A_236 {strides = array<i32>} : memref<264x64xf32, #tpu.memory_space<vmem>>, vector<1x16xf32>,
        %add3A_237 = arith.constant 7 : i32
        %add3A_238 = arith.addi %sub3A_219, %add3A_237 : i32
        %get3A_239 = arith.index_cast %add3A_238 : i32 to index
        %get3A_240 = arith.constant 16 : index
        %get3A_241 = tpu.vector_load %arg5[%get3A_239, %get3A_240] {strides = array<i32>} : memref<66x64xf32, #tpu.memory_space<vmem>>, vector<1x16xf32>,
        %get3A_242 = vector.shape_cast %get3A_241 : vector<1x16xf32> to vector<16xf32>
        %add3A_243 = arith.constant 31 : i32
        %add3A_244 = arith.addi %sub3A_217, %add3A_243 : i32
        %get3A_245 = arith.index_cast %add3A_244 : i32 to index
        %get3A_246 = arith.constant 16 : index
        %get3A_247 = tpu.vector_load %arg6[%get3A_245, %get3A_246] {strides = array<i32>} : memref<66x64xf32, #tpu.memory_space<vmem>>, vector<1x16xf32>,
        %get3A_248 = vector.shape_cast %get3A_247 : vector<1x16xf32> to vector<16xf32>
        %add3A_249 = arith.addf %get3A_242, %get3A_248 : vector<16xf32>
        %swap3A_250 = arith.constant 0 : i32
        %swap3A_251 = arith.index_cast %swap3A_250 : i32 to index
        %swap3A_252 = arith.constant 16 : index
        %swap3A_253 = tpu.vector_load %arg8[%swap3A_251, %swap3A_252] {strides = array<i32>} : memref<264x64xf32, #tpu.memory_space<vmem>>, vector<1x16xf32>,
        %swap3A_254 = vector.shape_cast %swap3A_253 : vector<1x16xf32> to vector<16xf32>
        %swap3A_255 = vector.shape_cast %add3A_249 : vector<16xf32> to vector<1x16xf32>
        tpu.vector_store %arg8[%swap3A_251, %swap3A_252], %swap3A_255 {strides = array<i32>} : memref<264x64xf32, #tpu.memory_space<vmem>>, vector<1x16xf32>,
        %add3A_256 = arith.constant 7 : i32
        %add3A_257 = arith.addi %sub3A_219, %add3A_256 : i32
        %get3A_258 = arith.index_cast %add3A_257 : i32 to index
        %get3A_259 = arith.constant 32 : index
        %get3A_260 = tpu.vector_load %arg5[%get3A_258, %get3A_259] {strides = array<i32>} : memref<66x64xf32, #tpu.memory_space<vmem>>, vector<1x16xf32>,
        %get3A_261 = vector.shape_cast %get3A_260 : vector<1x16xf32> to vector<16xf32>
        %add3A_262 = arith.constant 31 : i32
        %add3A_263 = arith.addi %sub3A_217, %add3A_262 : i32
        %get3A_264 = arith.index_cast %add3A_263 : i32 to index
        %get3A_265 = arith.constant 32 : index
        %get3A_266 = tpu.vector_load %arg6[%get3A_264, %get3A_265] {strides = array<i32>} : memref<66x64xf32, #tpu.memory_space<vmem>>, vector<1x16xf32>,
        %get3A_267 = vector.shape_cast %get3A_266 : vector<1x16xf32> to vector<16xf32>
        %add3A_268 = arith.addf %get3A_261, %get3A_267 : vector<16xf32>
        %swap3A_269 = arith.constant 0 : i32
        %swap3A_270 = arith.index_cast %swap3A_269 : i32 to index
        %swap3A_271 = arith.constant 32 : index
        %swap3A_272 = tpu.vector_load %arg8[%swap3A_270, %swap3A_271] {strides = array<i32>} : memref<264x64xf32, #tpu.memory_space<vmem>>, vector<1x16xf32>,
        %swap3A_273 = vector.shape_cast %swap3A_272 : vector<1x16xf32> to vector<16xf32>
        %swap3A_274 = vector.shape_cast %add3A_268 : vector<16xf32> to vector<1x16xf32>
        tpu.vector_store %arg8[%swap3A_270, %swap3A_271], %swap3A_274 {strides = array<i32>} : memref<264x64xf32, #tpu.memory_space<vmem>>, vector<1x16xf32>,
        %add3A_275 = arith.constant 7 : i32
        %add3A_276 = arith.addi %sub3A_219, %add3A_275 : i32
        %get3A_277 = arith.index_cast %add3A_276 : i32 to index
        %get3A_278 = arith.constant 48 : index
        %get3A_279 = tpu.vector_load %arg5[%get3A_277, %get3A_278] {strides = array<i32>} : memref<66x64xf32, #tpu.memory_space<vmem>>, vector<1x16xf32>,
        %get3A_280 = vector.shape_cast %get3A_279 : vector<1x16xf32> to vector<16xf32>
        %add3A_281 = arith.constant 31 : i32
        %add3A_282 = arith.addi %sub3A_217, %add3A_281 : i32
        %get3A_283 = arith.index_cast %add3A_282 : i32 to index
        %get3A_284 = arith.constant 48 : index
        %get3A_285 = tpu.vector_load %arg6[%get3A_283, %get3A_284] {strides = array<i32>} : memref<66x64xf32, #tpu.memory_space<vmem>>, vector<1x16xf32>,
        %get3A_286 = vector.shape_cast %get3A_285 : vector<1x16xf32> to vector<16xf32>
        %add3A_287 = arith.addf %get3A_280, %get3A_286 : vector<16xf32>
        %swap3A_288 = arith.constant 0 : i32
        %swap3A_289 = arith.index_cast %swap3A_288 : i32 to index
        %swap3A_290 = arith.constant 48 : index
        %swap3A_291 = tpu.vector_load %arg8[%swap3A_289, %swap3A_290] {strides = array<i32>} : memref<264x64xf32, #tpu.memory_space<vmem>>, vector<1x16xf32>,
        %swap3A_292 = vector.shape_cast %swap3A_291 : vector<1x16xf32> to vector<16xf32>
        %swap3A_293 = vector.shape_cast %add3A_287 : vector<16xf32> to vector<1x16xf32>
        tpu.vector_store %arg8[%swap3A_289, %swap3A_290], %swap3A_293 {strides = array<i32>} : memref<264x64xf32, #tpu.memory_space<vmem>>, vector<1x16xf32>,
        %scan3A_294 = arith.constant 0 : i32
        %scan3A_295 = arith.constant 0 : i32
        %scan3A_296 = arith.constant 7 : i32
        %scan3A_297 = arith.addi %scan3A_295, %scan3A_296 : i32
        %scan3A_298 = arith.constant 1 : i32
        %scan3A_299 = scf.for %scan3A_328 = %scan3A_295 to %scan3A_297 step %scan3A_298 iter_args(%scan3A_329 = %scan3A_294) -> (i32)  : i32 {
          %add3A_330 = arith.constant 8 : i32
          %add3A_331 = arith.addi %sub3A_219, %add3A_330 : i32
          %add3A_332 = arith.addi %add3A_331, %scan3A_328 : i32
          %get3A_333 = arith.index_cast %add3A_332 : i32 to index
          %get3A_334 = arith.constant 0 : index
          %get3A_335 = tpu.vector_load %arg5[%get3A_333, %get3A_334] {strides = array<i32>} : memref<66x64xf32, #tpu.memory_space<vmem>>, vector<1x16xf32>,
          %get3A_336 = vector.shape_cast %get3A_335 : vector<1x16xf32> to vector<16xf32>
          %get3A_337 = arith.index_cast %add3A_332 : i32 to index
          %get3A_338 = arith.constant 16 : index
          %get3A_339 = tpu.vector_load %arg5[%get3A_337, %get3A_338] {strides = array<i32>} : memref<66x64xf32, #tpu.memory_space<vmem>>, vector<1x16xf32>,
          %get3A_340 = vector.shape_cast %get3A_339 : vector<1x16xf32> to vector<16xf32>
          %get3A_341 = arith.index_cast %add3A_332 : i32 to index
          %get3A_342 = arith.constant 32 : index
          %get3A_343 = tpu.vector_load %arg5[%get3A_341, %get3A_342] {strides = array<i32>} : memref<66x64xf32, #tpu.memory_space<vmem>>, vector<1x16xf32>,
          %get3A_344 = vector.shape_cast %get3A_343 : vector<1x16xf32> to vector<16xf32>
          %get3A_345 = arith.index_cast %add3A_332 : i32 to index
          %get3A_346 = arith.constant 48 : index
          %get3A_347 = tpu.vector_load %arg5[%get3A_345, %get3A_346] {strides = array<i32>} : memref<66x64xf32, #tpu.memory_space<vmem>>, vector<1x16xf32>,
          %get3A_348 = vector.shape_cast %get3A_347 : vector<1x16xf32> to vector<16xf32>
          %mul3A_349 = arith.constant 32 : i32
          %mul3A_350 = arith.muli %mul3A_349, %scan3A_328 : i32
          %add3A_351 = arith.constant 1 : i32
          %add3A_352 = arith.addi %add3A_351, %mul3A_350 : i32
          %scan3A_353 = arith.constant 0 : i32
          %scan3A_354 = arith.constant 0 : i32
          %scan3A_355 = arith.constant 32 : i32
          %scan3A_356 = arith.addi %scan3A_354, %scan3A_355 : i32
          %scan3A_357 = arith.constant 1 : i32
          %scan3A_358 = scf.for %scan3A_361 = %scan3A_354 to %scan3A_356 step %scan3A_357 iter_args(%scan3A_362 = %scan3A_353) -> (i32)  : i32 {
            %add3A_363 = arith.addi %sub3A_217, %scan3A_361 : i32
            %get3A_364 = arith.index_cast %add3A_363 : i32 to index
            %get3A_365 = arith.constant 0 : index
            %get3A_366 = tpu.vector_load %arg6[%get3A_364, %get3A_365] {strides = array<i32>} : memref<66x64xf32, #tpu.memory_space<vmem>>, vector<1x16xf32>,
            %get3A_367 = vector.shape_cast %get3A_366 : vector<1x16xf32> to vector<16xf32>
            %add3A_368 = arith.addf %get3A_336, %get3A_367 : vector<16xf32>
            %add3A_369 = arith.addi %add3A_352, %scan3A_361 : i32
            %swap3A_370 = arith.index_cast %add3A_369 : i32 to index
            %swap3A_371 = arith.constant 0 : index
            %swap3A_372 = tpu.vector_load %arg8[%swap3A_370, %swap3A_371] {strides = array<i32>} : memref<264x64xf32, #tpu.memory_space<vmem>>, vector<1x16xf32>,
            %swap3A_373 = vector.shape_cast %swap3A_372 : vector<1x16xf32> to vector<16xf32>
            %swap3A_374 = vector.shape_cast %add3A_368 : vector<16xf32> to vector<1x16xf32>
            tpu.vector_store %arg8[%swap3A_370, %swap3A_371], %swap3A_374 {strides = array<i32>} : memref<264x64xf32, #tpu.memory_space<vmem>>, vector<1x16xf32>,
            %add3A_375 = arith.addi %sub3A_217, %scan3A_361 : i32
            %get3A_376 = arith.index_cast %add3A_375 : i32 to index
            %get3A_377 = arith.constant 16 : index
            %get3A_378 = tpu.vector_load %arg6[%get3A_376, %get3A_377] {strides = array<i32>} : memref<66x64xf32, #tpu.memory_space<vmem>>, vector<1x16xf32>,
            %get3A_379 = vector.shape_cast %get3A_378 : vector<1x16xf32> to vector<16xf32>
            %add3A_380 = arith.addf %get3A_340, %get3A_379 : vector<16xf32>
            %add3A_381 = arith.addi %add3A_352, %scan3A_361 : i32
            %swap3A_382 = arith.index_cast %add3A_381 : i32 to index
            %swap3A_383 = arith.constant 16 : index
            %swap3A_384 = tpu.vector_load %arg8[%swap3A_382, %swap3A_383] {strides = array<i32>} : memref<264x64xf32, #tpu.memory_space<vmem>>, vector<1x16xf32>,
            %swap3A_385 = vector.shape_cast %swap3A_384 : vector<1x16xf32> to vector<16xf32>
            %swap3A_386 = vector.shape_cast %add3A_380 : vector<16xf32> to vector<1x16xf32>
            tpu.vector_store %arg8[%swap3A_382, %swap3A_383], %swap3A_386 {strides = array<i32>} : memref<264x64xf32, #tpu.memory_space<vmem>>, vector<1x16xf32>,
            %add3A_387 = arith.addi %sub3A_217, %scan3A_361 : i32
            %get3A_388 = arith.index_cast %add3A_387 : i32 to index
            %get3A_389 = arith.constant 32 : index
            %get3A_390 = tpu.vector_load %arg6[%get3A_388, %get3A_389] {strides = array<i32>} : memref<66x64xf32, #tpu.memory_space<vmem>>, vector<1x16xf32>,
            %get3A_391 = vector.shape_cast %get3A_390 : vector<1x16xf32> to vector<16xf32>
            %add3A_392 = arith.addf %get3A_344, %get3A_391 : vector<16xf32>
            %add3A_393 = arith.addi %add3A_352, %scan3A_361 : i32
            %swap3A_394 = arith.index_cast %add3A_393 : i32 to index
            %swap3A_395 = arith.constant 32 : index
            %swap3A_396 = tpu.vector_load %arg8[%swap3A_394, %swap3A_395] {strides = array<i32>} : memref<264x64xf32, #tpu.memory_space<vmem>>, vector<1x16xf32>,
            %swap3A_397 = vector.shape_cast %swap3A_396 : vector<1x16xf32> to vector<16xf32>
            %swap3A_398 = vector.shape_cast %add3A_392 : vector<16xf32> to vector<1x16xf32>
            tpu.vector_store %arg8[%swap3A_394, %swap3A_395], %swap3A_398 {strides = array<i32>} : memref<264x64xf32, #tpu.memory_space<vmem>>, vector<1x16xf32>,
            %add3A_399 = arith.addi %sub3A_217, %scan3A_361 : i32
            %get3A_400 = arith.index_cast %add3A_399 : i32 to index
            %get3A_401 = arith.constant 48 : index
            %get3A_402 = tpu.vector_load %arg6[%get3A_400, %get3A_401] {strides = array<i32>} : memref<66x64xf32, #tpu.memory_space<vmem>>, vector<1x16xf32>,
            %get3A_403 = vector.shape_cast %get3A_402 : vector<1x16xf32> to vector<16xf32>
            %add3A_404 = arith.addf %get3A_348, %get3A_403 : vector<16xf32>
            %add3A_405 = arith.addi %add3A_352, %scan3A_361 : i32
            %swap3A_406 = arith.index_cast %add3A_405 : i32 to index
            %swap3A_407 = arith.constant 48 : index
            %swap3A_408 = tpu.vector_load %arg8[%swap3A_406, %swap3A_407] {strides = array<i32>} : memref<264x64xf32, #tpu.memory_space<vmem>>, vector<1x16xf32>,
            %swap3A_409 = vector.shape_cast %swap3A_408 : vector<1x16xf32> to vector<16xf32>
            %swap3A_410 = vector.shape_cast %add3A_404 : vector<16xf32> to vector<1x16xf32>
            tpu.vector_store %arg8[%swap3A_406, %swap3A_407], %swap3A_410 {strides = array<i32>} : memref<264x64xf32, #tpu.memory_space<vmem>>, vector<1x16xf32>,
            %scan3A_411 = arith.constant 0 : i32
            scf.yield %scan3A_411 : i32
          }
          %scan3A_359 = arith.constant 32 : i32
          %scan3A_360 = arith.constant 0 : i32
          scf.yield %scan3A_360 : i32
        }
        %scan3A_300 = arith.constant 7 : i32
        %add3A_301 = arith.constant 8 : i32
        %add3A_302 = arith.addi %sub3A_219, %add3A_301 : i32
        %add3A_303 = arith.constant 7 : i32
        %add3A_304 = arith.addi %add3A_302, %add3A_303 : i32
        %get3A_305 = arith.index_cast %add3A_304 : i32 to index
        %get3A_306 = arith.constant 0 : index
        %get3A_307 = tpu.vector_load %arg5[%get3A_305, %get3A_306] {strides = array<i32>} : memref<66x64xf32, #tpu.memory_space<vmem>>, vector<1x16xf32>,
        %get3A_308 = vector.shape_cast %get3A_307 : vector<1x16xf32> to vector<16xf32>
        %get3A_309 = arith.index_cast %add3A_304 : i32 to index
        %get3A_310 = arith.constant 16 : index
        %get3A_311 = tpu.vector_load %arg5[%get3A_309, %get3A_310] {strides = array<i32>} : memref<66x64xf32, #tpu.memory_space<vmem>>, vector<1x16xf32>,
        %get3A_312 = vector.shape_cast %get3A_311 : vector<1x16xf32> to vector<16xf32>
        %get3A_313 = arith.index_cast %add3A_304 : i32 to index
        %get3A_314 = arith.constant 32 : index
        %get3A_315 = tpu.vector_load %arg5[%get3A_313, %get3A_314] {strides = array<i32>} : memref<66x64xf32, #tpu.memory_space<vmem>>, vector<1x16xf32>,
        %get3A_316 = vector.shape_cast %get3A_315 : vector<1x16xf32> to vector<16xf32>
        %get3A_317 = arith.index_cast %add3A_304 : i32 to index
        %get3A_318 = arith.constant 48 : index
        %get3A_319 = tpu.vector_load %arg5[%get3A_317, %get3A_318] {strides = array<i32>} : memref<66x64xf32, #tpu.memory_space<vmem>>, vector<1x16xf32>,
        %get3A_320 = vector.shape_cast %get3A_319 : vector<1x16xf32> to vector<16xf32>
        %scan3A_321 = arith.constant 0 : i32
        %scan3A_322 = arith.constant 0 : i32
        %scan3A_323 = arith.constant 31 : i32
        %scan3A_324 = arith.addi %scan3A_322, %scan3A_323 : i32
        %scan3A_325 = arith.constant 1 : i32
        %scan3A_326 = scf.for %scan3A_328 = %scan3A_322 to %scan3A_324 step %scan3A_325 iter_args(%scan3A_329 = %scan3A_321) -> (i32)  : i32 {
          %add3A_330 = arith.addi %sub3A_217, %scan3A_328 : i32
          %get3A_331 = arith.index_cast %add3A_330 : i32 to index
          %get3A_332 = arith.constant 0 : index
          %get3A_333 = tpu.vector_load %arg6[%get3A_331, %get3A_332] {strides = array<i32>} : memref<66x64xf32, #tpu.memory_space<vmem>>, vector<1x16xf32>,
          %get3A_334 = vector.shape_cast %get3A_333 : vector<1x16xf32> to vector<16xf32>
          %add3A_335 = arith.addf %get3A_308, %get3A_334 : vector<16xf32>
          %add3A_336 = arith.constant 225 : i32
          %add3A_337 = arith.addi %add3A_336, %scan3A_328 : i32
          %swap3A_338 = arith.index_cast %add3A_337 : i32 to index
          %swap3A_339 = arith.constant 0 : index
          %swap3A_340 = tpu.vector_load %arg8[%swap3A_338, %swap3A_339] {strides = array<i32>} : memref<264x64xf32, #tpu.memory_space<vmem>>, vector<1x16xf32>,
          %swap3A_341 = vector.shape_cast %swap3A_340 : vector<1x16xf32> to vector<16xf32>
          %swap3A_342 = vector.shape_cast %add3A_335 : vector<16xf32> to vector<1x16xf32>
          tpu.vector_store %arg8[%swap3A_338, %swap3A_339], %swap3A_342 {strides = array<i32>} : memref<264x64xf32, #tpu.memory_space<vmem>>, vector<1x16xf32>,
          %add3A_343 = arith.addi %sub3A_217, %scan3A_328 : i32
          %get3A_344 = arith.index_cast %add3A_343 : i32 to index
          %get3A_345 = arith.constant 16 : index
          %get3A_346 = tpu.vector_load %arg6[%get3A_344, %get3A_345] {strides = array<i32>} : memref<66x64xf32, #tpu.memory_space<vmem>>, vector<1x16xf32>,
          %get3A_347 = vector.shape_cast %get3A_346 : vector<1x16xf32> to vector<16xf32>
          %add3A_348 = arith.addf %get3A_312, %get3A_347 : vector<16xf32>
          %add3A_349 = arith.constant 225 : i32
          %add3A_350 = arith.addi %add3A_349, %scan3A_328 : i32
          %swap3A_351 = arith.index_cast %add3A_350 : i32 to index
          %swap3A_352 = arith.constant 16 : index
          %swap3A_353 = tpu.vector_load %arg8[%swap3A_351, %swap3A_352] {strides = array<i32>} : memref<264x64xf32, #tpu.memory_space<vmem>>, vector<1x16xf32>,
          %swap3A_354 = vector.shape_cast %swap3A_353 : vector<1x16xf32> to vector<16xf32>
          %swap3A_355 = vector.shape_cast %add3A_348 : vector<16xf32> to vector<1x16xf32>
          tpu.vector_store %arg8[%swap3A_351, %swap3A_352], %swap3A_355 {strides = array<i32>} : memref<264x64xf32, #tpu.memory_space<vmem>>, vector<1x16xf32>,
          %add3A_356 = arith.addi %sub3A_217, %scan3A_328 : i32
          %get3A_357 = arith.index_cast %add3A_356 : i32 to index
          %get3A_358 = arith.constant 32 : index
          %get3A_359 = tpu.vector_load %arg6[%get3A_357, %get3A_358] {strides = array<i32>} : memref<66x64xf32, #tpu.memory_space<vmem>>, vector<1x16xf32>,
          %get3A_360 = vector.shape_cast %get3A_359 : vector<1x16xf32> to vector<16xf32>
          %add3A_361 = arith.addf %get3A_316, %get3A_360 : vector<16xf32>
          %add3A_362 = arith.constant 225 : i32
          %add3A_363 = arith.addi %add3A_362, %scan3A_328 : i32
          %swap3A_364 = arith.index_cast %add3A_363 : i32 to index
          %swap3A_365 = arith.constant 32 : index
          %swap3A_366 = tpu.vector_load %arg8[%swap3A_364, %swap3A_365] {strides = array<i32>} : memref<264x64xf32, #tpu.memory_space<vmem>>, vector<1x16xf32>,
          %swap3A_367 = vector.shape_cast %swap3A_366 : vector<1x16xf32> to vector<16xf32>
          %swap3A_368 = vector.shape_cast %add3A_361 : vector<16xf32> to vector<1x16xf32>
          tpu.vector_store %arg8[%swap3A_364, %swap3A_365], %swap3A_368 {strides = array<i32>} : memref<264x64xf32, #tpu.memory_space<vmem>>, vector<1x16xf32>,
          %add3A_369 = arith.addi %sub3A_217, %scan3A_328 : i32
          %get3A_370 = arith.index_cast %add3A_369 : i32 to index
          %get3A_371 = arith.constant 48 : index
          %get3A_372 = tpu.vector_load %arg6[%get3A_370, %get3A_371] {strides = array<i32>} : memref<66x64xf32, #tpu.memory_space<vmem>>, vector<1x16xf32>,
          %get3A_373 = vector.shape_cast %get3A_372 : vector<1x16xf32> to vector<16xf32>
          %add3A_374 = arith.addf %get3A_320, %get3A_373 : vector<16xf32>
          %add3A_375 = arith.constant 225 : i32
          %add3A_376 = arith.addi %add3A_375, %scan3A_328 : i32
          %swap3A_377 = arith.index_cast %add3A_376 : i32 to index
          %swap3A_378 = arith.constant 48 : index
          %swap3A_379 = tpu.vector_load %arg8[%swap3A_377, %swap3A_378] {strides = array<i32>} : memref<264x64xf32, #tpu.memory_space<vmem>>, vector<1x16xf32>,
          %swap3A_380 = vector.shape_cast %swap3A_379 : vector<1x16xf32> to vector<16xf32>
          %swap3A_381 = vector.shape_cast %add3A_374 : vector<16xf32> to vector<1x16xf32>
          tpu.vector_store %arg8[%swap3A_377, %swap3A_378], %swap3A_381 {strides = array<i32>} : memref<264x64xf32, #tpu.memory_space<vmem>>, vector<1x16xf32>,
          %scan3A_382 = arith.constant 0 : i32
          scf.yield %scan3A_382 : i32
        }
        %scan3A_327 = arith.constant 31 : i32
      } else {
      }
      %eq3A_99 = arith.constant 0 : i32
      %eq3A_100 = arith.cmpi eq, %add3A_57, %eq3A_99 : i32
      %convert_element_type3A_101 = arith.extui %eq3A_100 : i1 to i32
      %cond3A_102 = arith.constant 0 : i32
      %cond3A_103 = arith.cmpi ne, %convert_element_type3A_101, %cond3A_102 : i32
      scf.if %cond3A_103 {
        %get3A = arith.constant 0 : i32
        %get3A_195 = arith.index_cast %get3A : i32 to index
        %get3A_196 = arith.constant 0 : index
        %get3A_197 = tpu.vector_load %arg5[%get3A_195, %get3A_196] {strides = array<i32>} : memref<66x64xf32, #tpu.memory_space<vmem>>, vector<1x16xf32>,
        %get3A_198 = vector.shape_cast %get3A_197 : vector<1x16xf32> to vector<16xf32>
        %get3A_199 = arith.constant 0 : i32
        %get3A_200 = arith.index_cast %get3A_199 : i32 to index
        %get3A_201 = arith.constant 0 : index
        %get3A_202 = tpu.vector_load %arg6[%get3A_200, %get3A_201] {strides = array<i32>} : memref<66x64xf32, #tpu.memory_space<vmem>>, vector<1x16xf32>,
        %get3A_203 = vector.shape_cast %get3A_202 : vector<1x16xf32> to vector<16xf32>
        %add3A_204 = arith.addf %get3A_198, %get3A_203 : vector<16xf32>
        %get3A_205 = arith.constant 0 : i32
        %get3A_206 = arith.index_cast %get3A_205 : i32 to index
        %get3A_207 = arith.constant 16 : index
        %get3A_208 = tpu.vector_load %arg5[%get3A_206, %get3A_207] {strides = array<i32>} : memref<66x64xf32, #tpu.memory_space<vmem>>, vector<1x16xf32>,
        %get3A_209 = vector.shape_cast %get3A_208 : vector<1x16xf32> to vector<16xf32>
        %get3A_210 = arith.constant 0 : i32
        %get3A_211 = arith.index_cast %get3A_210 : i32 to index
        %get3A_212 = arith.constant 16 : index
        %get3A_213 = tpu.vector_load %arg6[%get3A_211, %get3A_212] {strides = array<i32>} : memref<66x64xf32, #tpu.memory_space<vmem>>, vector<1x16xf32>,
        %get3A_214 = vector.shape_cast %get3A_213 : vector<1x16xf32> to vector<16xf32>
        %add3A_215 = arith.addf %get3A_209, %get3A_214 : vector<16xf32>
        %get3A_216 = arith.constant 0 : i32
        %get3A_217 = arith.index_cast %get3A_216 : i32 to index
        %get3A_218 = arith.constant 32 : index
        %get3A_219 = tpu.vector_load %arg5[%get3A_217, %get3A_218] {strides = array<i32>} : memref<66x64xf32, #tpu.memory_space<vmem>>, vector<1x16xf32>,
        %get3A_220 = vector.shape_cast %get3A_219 : vector<1x16xf32> to vector<16xf32>
        %get3A_221 = arith.constant 0 : i32
        %get3A_222 = arith.index_cast %get3A_221 : i32 to index
        %get3A_223 = arith.constant 32 : index
        %get3A_224 = tpu.vector_load %arg6[%get3A_222, %get3A_223] {strides = array<i32>} : memref<66x64xf32, #tpu.memory_space<vmem>>, vector<1x16xf32>,
        %get3A_225 = vector.shape_cast %get3A_224 : vector<1x16xf32> to vector<16xf32>
        %add3A_226 = arith.addf %get3A_220, %get3A_225 : vector<16xf32>
        %get3A_227 = arith.constant 0 : i32
        %get3A_228 = arith.index_cast %get3A_227 : i32 to index
        %get3A_229 = arith.constant 48 : index
        %get3A_230 = tpu.vector_load %arg5[%get3A_228, %get3A_229] {strides = array<i32>} : memref<66x64xf32, #tpu.memory_space<vmem>>, vector<1x16xf32>,
        %get3A_231 = vector.shape_cast %get3A_230 : vector<1x16xf32> to vector<16xf32>
        %get3A_232 = arith.constant 0 : i32
        %get3A_233 = arith.index_cast %get3A_232 : i32 to index
        %get3A_234 = arith.constant 48 : index
        %get3A_235 = tpu.vector_load %arg6[%get3A_233, %get3A_234] {strides = array<i32>} : memref<66x64xf32, #tpu.memory_space<vmem>>, vector<1x16xf32>,
        %get3A_236 = vector.shape_cast %get3A_235 : vector<1x16xf32> to vector<16xf32>
        %add3A_237 = arith.addf %get3A_231, %get3A_236 : vector<16xf32>
        %scan3A_238 = arith.constant 0 : i32
        %scan3A_239 = arith.constant 0 : i32
        %scan3A_240 = arith.constant 257 : i32
        %scan3A_241 = arith.addi %scan3A_239, %scan3A_240 : i32
        %scan3A_242 = arith.constant 1 : i32
        %scan3A_243 = scf.for %scan3A_245 = %scan3A_239 to %scan3A_241 step %scan3A_242 iter_args(%scan3A_246 = %scan3A_238) -> (i32)  : i32 {
          %swap3A = arith.index_cast %scan3A_245 : i32 to index
          %swap3A_247 = arith.constant 0 : index
          %swap3A_248 = tpu.vector_load %arg8[%swap3A, %swap3A_247] {strides = array<i32>} : memref<264x64xf32, #tpu.memory_space<vmem>>, vector<1x16xf32>,
          %swap3A_249 = vector.shape_cast %swap3A_248 : vector<1x16xf32> to vector<16xf32>
          %swap3A_250 = vector.shape_cast %add3A_204 : vector<16xf32> to vector<1x16xf32>
          tpu.vector_store %arg8[%swap3A, %swap3A_247], %swap3A_250 {strides = array<i32>} : memref<264x64xf32, #tpu.memory_space<vmem>>, vector<1x16xf32>,
          %swap3A_251 = arith.index_cast %scan3A_245 : i32 to index
          %swap3A_252 = arith.constant 16 : index
          %swap3A_253 = tpu.vector_load %arg8[%swap3A_251, %swap3A_252] {strides = array<i32>} : memref<264x64xf32, #tpu.memory_space<vmem>>, vector<1x16xf32>,
          %swap3A_254 = vector.shape_cast %swap3A_253 : vector<1x16xf32> to vector<16xf32>
          %swap3A_255 = vector.shape_cast %add3A_215 : vector<16xf32> to vector<1x16xf32>
          tpu.vector_store %arg8[%swap3A_251, %swap3A_252], %swap3A_255 {strides = array<i32>} : memref<264x64xf32, #tpu.memory_space<vmem>>, vector<1x16xf32>,
          %swap3A_256 = arith.index_cast %scan3A_245 : i32 to index
          %swap3A_257 = arith.constant 32 : index
          %swap3A_258 = tpu.vector_load %arg8[%swap3A_256, %swap3A_257] {strides = array<i32>} : memref<264x64xf32, #tpu.memory_space<vmem>>, vector<1x16xf32>,
          %swap3A_259 = vector.shape_cast %swap3A_258 : vector<1x16xf32> to vector<16xf32>
          %swap3A_260 = vector.shape_cast %add3A_226 : vector<16xf32> to vector<1x16xf32>
          tpu.vector_store %arg8[%swap3A_256, %swap3A_257], %swap3A_260 {strides = array<i32>} : memref<264x64xf32, #tpu.memory_space<vmem>>, vector<1x16xf32>,
          %swap3A_261 = arith.index_cast %scan3A_245 : i32 to index
          %swap3A_262 = arith.constant 48 : index
          %swap3A_263 = tpu.vector_load %arg8[%swap3A_261, %swap3A_262] {strides = array<i32>} : memref<264x64xf32, #tpu.memory_space<vmem>>, vector<1x16xf32>,
          %swap3A_264 = vector.shape_cast %swap3A_263 : vector<1x16xf32> to vector<16xf32>
          %swap3A_265 = vector.shape_cast %add3A_237 : vector<16xf32> to vector<1x16xf32>
          tpu.vector_store %arg8[%swap3A_261, %swap3A_262], %swap3A_265 {strides = array<i32>} : memref<264x64xf32, #tpu.memory_space<vmem>>, vector<1x16xf32>,
          %scan3A_266 = arith.constant 0 : i32
          scf.yield %scan3A_266 : i32
        }
        %scan3A_244 = arith.constant 257 : i32
      } else {
      }
      %dma_start3A_104 = arith.constant 0 : i32
      %dma_start3A_105 = arith.constant 0 : i32
      %dma_start3A_106 = tpu.memref_slice %arg8[%dma_start3A_104, %dma_start3A_105] : memref<264x64xf32, #tpu.memory_space<vmem>> -> memref<256x64xf32, #tpu.memory_space<vmem>>
      %dma_start3A_107 = arith.constant 256 : i32
      %dma_start3A_108 = arith.constant 0 : i32
      %dma_start3A_109 = tpu.memref_slice %arg4[%add3A_57, %dma_start3A_107, %dma_start3A_108] : memref<1025x1025x64xf32, #tpu.memory_space<hbm>> -> memref<1x256x64xf32, #tpu.memory_space<hbm>>
      %dma_start3A_110 = tpu.memref_squeeze %dma_start3A_109 : memref<1x256x64xf32, #tpu.memory_space<hbm>> -> memref<256x64xf32, #tpu.memory_space<hbm>>
      %dma_start3A_111 = arith.constant 256 : i32
      %dma_start3A_112 = arith.constant 0 : i32
      %dma_start3A_113 = tpu.memref_slice %arg4[%add3A_57, %dma_start3A_111, %dma_start3A_112] : memref<1025x1025x64xf32, #tpu.memory_space<hbm>> -> memref<1x256x64xf32, #tpu.memory_space<hbm>>
      %dma_start3A_114 = tpu.memref_squeeze %dma_start3A_113 : memref<1x256x64xf32, #tpu.memory_space<hbm>> -> memref<256x64xf32, #tpu.memory_space<hbm>>
      %dma_start3A_115 = arith.constant 0 : i32
      %dma_start3A_116 = arith.constant 0 : i32
      %dma_start3A_117 = tpu.memref_slice %arg8[%dma_start3A_115, %dma_start3A_116] : memref<264x64xf32, #tpu.memory_space<vmem>> -> memref<256x64xf32, #tpu.memory_space<vmem>>
      tpu.enqueue_dma source(%dma_start3A_117 : memref<256x64xf32, #tpu.memory_space<vmem>>) target(%dma_start3A_114 : memref<256x64xf32, #tpu.memory_space<hbm>>) target_semaphore(%arg10 : memref<!tpu.dma_semaphore, #tpu.memory_space<semaphore_mem>>)
      %not3A_118 = arith.constant true
      %not3A_119 = arith.xori %eq3A_59, %not3A_118 : i1
      %or3A_120 = arith.constant true
      %or3A_121 = arith.ori %not3A_119, %or3A_120 : i1
      %convert_element_type3A_122 = arith.extui %or3A_121 : i1 to i32
      %cond3A_123 = arith.constant 0 : i32
      %cond3A_124 = arith.cmpi ne, %convert_element_type3A_122, %cond3A_123 : i32
      scf.if %cond3A_124 {
        %dma_wait3A_195 = arith.constant 0 : i32
        %dma_wait3A_196 = arith.constant 0 : i32
        %dma_wait3A_197 = arith.constant 0 : i32
        %dma_wait3A_198 = tpu.memref_slice %arg7[%dma_wait3A_196, %dma_wait3A_197] : memref<264x64xf32, #tpu.memory_space<vmem>> -> memref<256x64xf32, #tpu.memory_space<vmem>>
        %dma_wait3A_199 = arith.constant 0 : i32
        %dma_wait3A_200 = arith.constant 0 : i32
        %dma_wait3A_201 = tpu.memref_slice %arg4[%dma_wait3A_195, %dma_wait3A_199, %dma_wait3A_200] : memref<1025x1025x64xf32, #tpu.memory_space<hbm>> -> memref<1x256x64xf32, #tpu.memory_space<hbm>>
        %dma_wait3A_202 = tpu.memref_squeeze %dma_wait3A_201 : memref<1x256x64xf32, #tpu.memory_space<hbm>> -> memref<256x64xf32, #tpu.memory_space<hbm>>
        %dma_wait3A_203 = arith.constant 0 : i32
        %dma_wait3A_204 = arith.constant 0 : i32
        %dma_wait3A_205 = tpu.memref_slice %arg4[%dma_wait3A_195, %dma_wait3A_203, %dma_wait3A_204] : memref<1025x1025x64xf32, #tpu.memory_space<hbm>> -> memref<1x256x64xf32, #tpu.memory_space<hbm>>
        %dma_wait3A_206 = tpu.memref_squeeze %dma_wait3A_205 : memref<1x256x64xf32, #tpu.memory_space<hbm>> -> memref<256x64xf32, #tpu.memory_space<hbm>>
        %dma_wait3A_207 = arith.constant 0 : i32
        %dma_wait3A_208 = arith.constant 0 : i32
        %dma_wait3A_209 = tpu.memref_slice %arg7[%dma_wait3A_207, %dma_wait3A_208] : memref<264x64xf32, #tpu.memory_space<vmem>> -> memref<256x64xf32, #tpu.memory_space<vmem>>
        tpu.wait_dma2 semaphore(%arg9 : memref<!tpu.dma_semaphore, #tpu.memory_space<semaphore_mem>>) src(%dma_wait3A_209 : memref<256x64xf32, #tpu.memory_space<vmem>>) dst(%dma_wait3A_206 : memref<256x64xf32, #tpu.memory_space<hbm>>)
      } else {
      }
      %lt3A_125 = arith.constant 0 : i32
      %lt3A_126 = arith.cmpi slt, %add3A_57, %lt3A_125 : i32
      %convert_element_type3A_127 = arith.extui %lt3A_126 : i1 to i32
      %cond3A_128 = arith.constant 0 : i32
      %cond3A_129 = arith.cmpi ne, %convert_element_type3A_127, %cond3A_128 : i32
      scf.if %cond3A_129 {
        %sub3A = arith.constant 1 : i32
        %sub3A_195 = arith.subi %add3A_57, %sub3A : i32
        %jit3A = arith.constant 32 : i32
        %div3A = arith.divsi %sub3A_195, %jit3A : i32
        %sign3A = arith.constant 0 : i32
        %sign3A_196 = arith.cmpi sgt, %sub3A_195, %sign3A : i32
        %sign3A_197 = arith.extui %sign3A_196 : i1 to i32
        %sign3A_198 = arith.constant 0 : i32
        %sign3A_199 = arith.cmpi slt, %sub3A_195, %sign3A_198 : i32
        %sign3A_200 = arith.extui %sign3A_199 : i1 to i32
        %sign3A_201 = arith.subi %sign3A_197, %sign3A_200 : i32
        %sign3A_202 = arith.constant 0 : i32
        %sign3A_203 = arith.cmpi sgt, %jit3A, %sign3A_202 : i32
        %sign3A_204 = arith.extui %sign3A_203 : i1 to i32
        %sign3A_205 = arith.constant 0 : i32
        %sign3A_206 = arith.cmpi slt, %jit3A, %sign3A_205 : i32
        %sign3A_207 = arith.extui %sign3A_206 : i1 to i32
        %sign3A_208 = arith.subi %sign3A_204, %sign3A_207 : i32
        %ne3A = arith.cmpi ne, %sign3A_201, %sign3A_208 : i32
        %rem3A = arith.remsi %sub3A_195, %jit3A : i32
        %ne3A_209 = arith.constant 0 : i32
        %ne3A_210 = arith.cmpi ne, %rem3A, %ne3A_209 : i32
        %and3A = arith.andi %ne3A, %ne3A_210 : i1
        %sub3A_211 = arith.constant 1 : i32
        %sub3A_212 = arith.subi %div3A, %sub3A_211 : i32
        %select_n3A = arith.select %and3A, %sub3A_212, %div3A : i32
        %mul3A_213 = arith.constant 32 : i32
        %mul3A_214 = arith.muli %select_n3A, %mul3A_213 : i32
        %sub3A_215 = arith.subi %sub3A_195, %mul3A_214 : i32
        %sub3A_216 = arith.constant 33 : i32
        %sub3A_217 = arith.subi %sub3A_216, %sub3A_215 : i32
        %sub3A_218 = arith.constant 33 : i32
        %sub3A_219 = arith.subi %sub3A_218, %select_n3A : i32
        %add3A_220 = arith.constant 15 : i32
        %add3A_221 = arith.addi %sub3A_219, %add3A_220 : i32
        %get3A = arith.index_cast %add3A_221 : i32 to index
        %get3A_222 = arith.constant 0 : index
        %get3A_223 = tpu.vector_load %arg5[%get3A, %get3A_222] {strides = array<i32>} : memref<66x64xf32, #tpu.memory_space<vmem>>, vector<1x16xf32>,
        %get3A_224 = vector.shape_cast %get3A_223 : vector<1x16xf32> to vector<16xf32>
        %add3A_225 = arith.constant 31 : i32
        %add3A_226 = arith.addi %sub3A_217, %add3A_225 : i32
        %get3A_227 = arith.index_cast %add3A_226 : i32 to index
        %get3A_228 = arith.constant 0 : index
        %get3A_229 = tpu.vector_load %arg6[%get3A_227, %get3A_228] {strides = array<i32>} : memref<66x64xf32, #tpu.memory_space<vmem>>, vector<1x16xf32>,
        %get3A_230 = vector.shape_cast %get3A_229 : vector<1x16xf32> to vector<16xf32>
        %add3A_231 = arith.addf %get3A_224, %get3A_230 : vector<16xf32>
        %swap3A = arith.constant 0 : i32
        %swap3A_232 = arith.index_cast %swap3A : i32 to index
        %swap3A_233 = arith.constant 0 : index
        %swap3A_234 = tpu.vector_load %arg7[%swap3A_232, %swap3A_233] {strides = array<i32>} : memref<264x64xf32, #tpu.memory_space<vmem>>, vector<1x16xf32>,
        %swap3A_235 = vector.shape_cast %swap3A_234 : vector<1x16xf32> to vector<16xf32>
        %swap3A_236 = vector.shape_cast %add3A_231 : vector<16xf32> to vector<1x16xf32>
        tpu.vector_store %arg7[%swap3A_232, %swap3A_233], %swap3A_236 {strides = array<i32>} : memref<264x64xf32, #tpu.memory_space<vmem>>, vector<1x16xf32>,
        %add3A_237 = arith.constant 15 : i32
        %add3A_238 = arith.addi %sub3A_219, %add3A_237 : i32
        %get3A_239 = arith.index_cast %add3A_238 : i32 to index
        %get3A_240 = arith.constant 16 : index
        %get3A_241 = tpu.vector_load %arg5[%get3A_239, %get3A_240] {strides = array<i32>} : memref<66x64xf32, #tpu.memory_space<vmem>>, vector<1x16xf32>,
        %get3A_242 = vector.shape_cast %get3A_241 : vector<1x16xf32> to vector<16xf32>
        %add3A_243 = arith.constant 31 : i32
        %add3A_244 = arith.addi %sub3A_217, %add3A_243 : i32
        %get3A_245 = arith.index_cast %add3A_244 : i32 to index
        %get3A_246 = arith.constant 16 : index
        %get3A_247 = tpu.vector_load %arg6[%get3A_245, %get3A_246] {strides = array<i32>} : memref<66x64xf32, #tpu.memory_space<vmem>>, vector<1x16xf32>,
        %get3A_248 = vector.shape_cast %get3A_247 : vector<1x16xf32> to vector<16xf32>
        %add3A_249 = arith.addf %get3A_242, %get3A_248 : vector<16xf32>
        %swap3A_250 = arith.constant 0 : i32
        %swap3A_251 = arith.index_cast %swap3A_250 : i32 to index
        %swap3A_252 = arith.constant 16 : index
        %swap3A_253 = tpu.vector_load %arg7[%swap3A_251, %swap3A_252] {strides = array<i32>} : memref<264x64xf32, #tpu.memory_space<vmem>>, vector<1x16xf32>,
        %swap3A_254 = vector.shape_cast %swap3A_253 : vector<1x16xf32> to vector<16xf32>
        %swap3A_255 = vector.shape_cast %add3A_249 : vector<16xf32> to vector<1x16xf32>
        tpu.vector_store %arg7[%swap3A_251, %swap3A_252], %swap3A_255 {strides = array<i32>} : memref<264x64xf32, #tpu.memory_space<vmem>>, vector<1x16xf32>,
        %add3A_256 = arith.constant 15 : i32
        %add3A_257 = arith.addi %sub3A_219, %add3A_256 : i32
        %get3A_258 = arith.index_cast %add3A_257 : i32 to index
        %get3A_259 = arith.constant 32 : index
        %get3A_260 = tpu.vector_load %arg5[%get3A_258, %get3A_259] {strides = array<i32>} : memref<66x64xf32, #tpu.memory_space<vmem>>, vector<1x16xf32>,
        %get3A_261 = vector.shape_cast %get3A_260 : vector<1x16xf32> to vector<16xf32>
        %add3A_262 = arith.constant 31 : i32
        %add3A_263 = arith.addi %sub3A_217, %add3A_262 : i32
        %get3A_264 = arith.index_cast %add3A_263 : i32 to index
        %get3A_265 = arith.constant 32 : index
        %get3A_266 = tpu.vector_load %arg6[%get3A_264, %get3A_265] {strides = array<i32>} : memref<66x64xf32, #tpu.memory_space<vmem>>, vector<1x16xf32>,
        %get3A_267 = vector.shape_cast %get3A_266 : vector<1x16xf32> to vector<16xf32>
        %add3A_268 = arith.addf %get3A_261, %get3A_267 : vector<16xf32>
        %swap3A_269 = arith.constant 0 : i32
        %swap3A_270 = arith.index_cast %swap3A_269 : i32 to index
        %swap3A_271 = arith.constant 32 : index
        %swap3A_272 = tpu.vector_load %arg7[%swap3A_270, %swap3A_271] {strides = array<i32>} : memref<264x64xf32, #tpu.memory_space<vmem>>, vector<1x16xf32>,
        %swap3A_273 = vector.shape_cast %swap3A_272 : vector<1x16xf32> to vector<16xf32>
        %swap3A_274 = vector.shape_cast %add3A_268 : vector<16xf32> to vector<1x16xf32>
        tpu.vector_store %arg7[%swap3A_270, %swap3A_271], %swap3A_274 {strides = array<i32>} : memref<264x64xf32, #tpu.memory_space<vmem>>, vector<1x16xf32>,
        %add3A_275 = arith.constant 15 : i32
        %add3A_276 = arith.addi %sub3A_219, %add3A_275 : i32
        %get3A_277 = arith.index_cast %add3A_276 : i32 to index
        %get3A_278 = arith.constant 48 : index
        %get3A_279 = tpu.vector_load %arg5[%get3A_277, %get3A_278] {strides = array<i32>} : memref<66x64xf32, #tpu.memory_space<vmem>>, vector<1x16xf32>,
        %get3A_280 = vector.shape_cast %get3A_279 : vector<1x16xf32> to vector<16xf32>
        %add3A_281 = arith.constant 31 : i32
        %add3A_282 = arith.addi %sub3A_217, %add3A_281 : i32
        %get3A_283 = arith.index_cast %add3A_282 : i32 to index
        %get3A_284 = arith.constant 48 : index
        %get3A_285 = tpu.vector_load %arg6[%get3A_283, %get3A_284] {strides = array<i32>} : memref<66x64xf32, #tpu.memory_space<vmem>>, vector<1x16xf32>,
        %get3A_286 = vector.shape_cast %get3A_285 : vector<1x16xf32> to vector<16xf32>
        %add3A_287 = arith.addf %get3A_280, %get3A_286 : vector<16xf32>
        %swap3A_288 = arith.constant 0 : i32
        %swap3A_289 = arith.index_cast %swap3A_288 : i32 to index
        %swap3A_290 = arith.constant 48 : index
        %swap3A_291 = tpu.vector_load %arg7[%swap3A_289, %swap3A_290] {strides = array<i32>} : memref<264x64xf32, #tpu.memory_space<vmem>>, vector<1x16xf32>,
        %swap3A_292 = vector.shape_cast %swap3A_291 : vector<1x16xf32> to vector<16xf32>
        %swap3A_293 = vector.shape_cast %add3A_287 : vector<16xf32> to vector<1x16xf32>
        tpu.vector_store %arg7[%swap3A_289, %swap3A_290], %swap3A_293 {strides = array<i32>} : memref<264x64xf32, #tpu.memory_space<vmem>>, vector<1x16xf32>,
        %scan3A_294 = arith.constant 0 : i32
        %scan3A_295 = arith.constant 0 : i32
        %scan3A_296 = arith.constant 7 : i32
        %scan3A_297 = arith.addi %scan3A_295, %scan3A_296 : i32
        %scan3A_298 = arith.constant 1 : i32
        %scan3A_299 = scf.for %scan3A_328 = %scan3A_295 to %scan3A_297 step %scan3A_298 iter_args(%scan3A_329 = %scan3A_294) -> (i32)  : i32 {
          %add3A_330 = arith.constant 16 : i32
          %add3A_331 = arith.addi %sub3A_219, %add3A_330 : i32
          %add3A_332 = arith.addi %add3A_331, %scan3A_328 : i32
          %get3A_333 = arith.index_cast %add3A_332 : i32 to index
          %get3A_334 = arith.constant 0 : index
          %get3A_335 = tpu.vector_load %arg5[%get3A_333, %get3A_334] {strides = array<i32>} : memref<66x64xf32, #tpu.memory_space<vmem>>, vector<1x16xf32>,
          %get3A_336 = vector.shape_cast %get3A_335 : vector<1x16xf32> to vector<16xf32>
          %get3A_337 = arith.index_cast %add3A_332 : i32 to index
          %get3A_338 = arith.constant 16 : index
          %get3A_339 = tpu.vector_load %arg5[%get3A_337, %get3A_338] {strides = array<i32>} : memref<66x64xf32, #tpu.memory_space<vmem>>, vector<1x16xf32>,
          %get3A_340 = vector.shape_cast %get3A_339 : vector<1x16xf32> to vector<16xf32>
          %get3A_341 = arith.index_cast %add3A_332 : i32 to index
          %get3A_342 = arith.constant 32 : index
          %get3A_343 = tpu.vector_load %arg5[%get3A_341, %get3A_342] {strides = array<i32>} : memref<66x64xf32, #tpu.memory_space<vmem>>, vector<1x16xf32>,
          %get3A_344 = vector.shape_cast %get3A_343 : vector<1x16xf32> to vector<16xf32>
          %get3A_345 = arith.index_cast %add3A_332 : i32 to index
          %get3A_346 = arith.constant 48 : index
          %get3A_347 = tpu.vector_load %arg5[%get3A_345, %get3A_346] {strides = array<i32>} : memref<66x64xf32, #tpu.memory_space<vmem>>, vector<1x16xf32>,
          %get3A_348 = vector.shape_cast %get3A_347 : vector<1x16xf32> to vector<16xf32>
          %mul3A_349 = arith.constant 32 : i32
          %mul3A_350 = arith.muli %mul3A_349, %scan3A_328 : i32
          %add3A_351 = arith.constant 1 : i32
          %add3A_352 = arith.addi %add3A_351, %mul3A_350 : i32
          %scan3A_353 = arith.constant 0 : i32
          %scan3A_354 = arith.constant 0 : i32
          %scan3A_355 = arith.constant 32 : i32
          %scan3A_356 = arith.addi %scan3A_354, %scan3A_355 : i32
          %scan3A_357 = arith.constant 1 : i32
          %scan3A_358 = scf.for %scan3A_361 = %scan3A_354 to %scan3A_356 step %scan3A_357 iter_args(%scan3A_362 = %scan3A_353) -> (i32)  : i32 {
            %add3A_363 = arith.addi %sub3A_217, %scan3A_361 : i32
            %get3A_364 = arith.index_cast %add3A_363 : i32 to index
            %get3A_365 = arith.constant 0 : index
            %get3A_366 = tpu.vector_load %arg6[%get3A_364, %get3A_365] {strides = array<i32>} : memref<66x64xf32, #tpu.memory_space<vmem>>, vector<1x16xf32>,
            %get3A_367 = vector.shape_cast %get3A_366 : vector<1x16xf32> to vector<16xf32>
            %add3A_368 = arith.addf %get3A_336, %get3A_367 : vector<16xf32>
            %add3A_369 = arith.addi %add3A_352, %scan3A_361 : i32
            %swap3A_370 = arith.index_cast %add3A_369 : i32 to index
            %swap3A_371 = arith.constant 0 : index
            %swap3A_372 = tpu.vector_load %arg7[%swap3A_370, %swap3A_371] {strides = array<i32>} : memref<264x64xf32, #tpu.memory_space<vmem>>, vector<1x16xf32>,
            %swap3A_373 = vector.shape_cast %swap3A_372 : vector<1x16xf32> to vector<16xf32>
            %swap3A_374 = vector.shape_cast %add3A_368 : vector<16xf32> to vector<1x16xf32>
            tpu.vector_store %arg7[%swap3A_370, %swap3A_371], %swap3A_374 {strides = array<i32>} : memref<264x64xf32, #tpu.memory_space<vmem>>, vector<1x16xf32>,
            %add3A_375 = arith.addi %sub3A_217, %scan3A_361 : i32
            %get3A_376 = arith.index_cast %add3A_375 : i32 to index
            %get3A_377 = arith.constant 16 : index
            %get3A_378 = tpu.vector_load %arg6[%get3A_376, %get3A_377] {strides = array<i32>} : memref<66x64xf32, #tpu.memory_space<vmem>>, vector<1x16xf32>,
            %get3A_379 = vector.shape_cast %get3A_378 : vector<1x16xf32> to vector<16xf32>
            %add3A_380 = arith.addf %get3A_340, %get3A_379 : vector<16xf32>
            %add3A_381 = arith.addi %add3A_352, %scan3A_361 : i32
            %swap3A_382 = arith.index_cast %add3A_381 : i32 to index
            %swap3A_383 = arith.constant 16 : index
            %swap3A_384 = tpu.vector_load %arg7[%swap3A_382, %swap3A_383] {strides = array<i32>} : memref<264x64xf32, #tpu.memory_space<vmem>>, vector<1x16xf32>,
            %swap3A_385 = vector.shape_cast %swap3A_384 : vector<1x16xf32> to vector<16xf32>
            %swap3A_386 = vector.shape_cast %add3A_380 : vector<16xf32> to vector<1x16xf32>
            tpu.vector_store %arg7[%swap3A_382, %swap3A_383], %swap3A_386 {strides = array<i32>} : memref<264x64xf32, #tpu.memory_space<vmem>>, vector<1x16xf32>,
            %add3A_387 = arith.addi %sub3A_217, %scan3A_361 : i32
            %get3A_388 = arith.index_cast %add3A_387 : i32 to index
            %get3A_389 = arith.constant 32 : index
            %get3A_390 = tpu.vector_load %arg6[%get3A_388, %get3A_389] {strides = array<i32>} : memref<66x64xf32, #tpu.memory_space<vmem>>, vector<1x16xf32>,
            %get3A_391 = vector.shape_cast %get3A_390 : vector<1x16xf32> to vector<16xf32>
            %add3A_392 = arith.addf %get3A_344, %get3A_391 : vector<16xf32>
            %add3A_393 = arith.addi %add3A_352, %scan3A_361 : i32
            %swap3A_394 = arith.index_cast %add3A_393 : i32 to index
            %swap3A_395 = arith.constant 32 : index
            %swap3A_396 = tpu.vector_load %arg7[%swap3A_394, %swap3A_395] {strides = array<i32>} : memref<264x64xf32, #tpu.memory_space<vmem>>, vector<1x16xf32>,
            %swap3A_397 = vector.shape_cast %swap3A_396 : vector<1x16xf32> to vector<16xf32>
            %swap3A_398 = vector.shape_cast %add3A_392 : vector<16xf32> to vector<1x16xf32>
            tpu.vector_store %arg7[%swap3A_394, %swap3A_395], %swap3A_398 {strides = array<i32>} : memref<264x64xf32, #tpu.memory_space<vmem>>, vector<1x16xf32>,
            %add3A_399 = arith.addi %sub3A_217, %scan3A_361 : i32
            %get3A_400 = arith.index_cast %add3A_399 : i32 to index
            %get3A_401 = arith.constant 48 : index
            %get3A_402 = tpu.vector_load %arg6[%get3A_400, %get3A_401] {strides = array<i32>} : memref<66x64xf32, #tpu.memory_space<vmem>>, vector<1x16xf32>,
            %get3A_403 = vector.shape_cast %get3A_402 : vector<1x16xf32> to vector<16xf32>
            %add3A_404 = arith.addf %get3A_348, %get3A_403 : vector<16xf32>
            %add3A_405 = arith.addi %add3A_352, %scan3A_361 : i32
            %swap3A_406 = arith.index_cast %add3A_405 : i32 to index
            %swap3A_407 = arith.constant 48 : index
            %swap3A_408 = tpu.vector_load %arg7[%swap3A_406, %swap3A_407] {strides = array<i32>} : memref<264x64xf32, #tpu.memory_space<vmem>>, vector<1x16xf32>,
            %swap3A_409 = vector.shape_cast %swap3A_408 : vector<1x16xf32> to vector<16xf32>
            %swap3A_410 = vector.shape_cast %add3A_404 : vector<16xf32> to vector<1x16xf32>
            tpu.vector_store %arg7[%swap3A_406, %swap3A_407], %swap3A_410 {strides = array<i32>} : memref<264x64xf32, #tpu.memory_space<vmem>>, vector<1x16xf32>,
            %scan3A_411 = arith.constant 0 : i32
            scf.yield %scan3A_411 : i32
          }
          %scan3A_359 = arith.constant 32 : i32
          %scan3A_360 = arith.constant 0 : i32
          scf.yield %scan3A_360 : i32
        }
        %scan3A_300 = arith.constant 7 : i32
        %add3A_301 = arith.constant 16 : i32
        %add3A_302 = arith.addi %sub3A_219, %add3A_301 : i32
        %add3A_303 = arith.constant 7 : i32
        %add3A_304 = arith.addi %add3A_302, %add3A_303 : i32
        %get3A_305 = arith.index_cast %add3A_304 : i32 to index
        %get3A_306 = arith.constant 0 : index
        %get3A_307 = tpu.vector_load %arg5[%get3A_305, %get3A_306] {strides = array<i32>} : memref<66x64xf32, #tpu.memory_space<vmem>>, vector<1x16xf32>,
        %get3A_308 = vector.shape_cast %get3A_307 : vector<1x16xf32> to vector<16xf32>
        %get3A_309 = arith.index_cast %add3A_304 : i32 to index
        %get3A_310 = arith.constant 16 : index
        %get3A_311 = tpu.vector_load %arg5[%get3A_309, %get3A_310] {strides = array<i32>} : memref<66x64xf32, #tpu.memory_space<vmem>>, vector<1x16xf32>,
        %get3A_312 = vector.shape_cast %get3A_311 : vector<1x16xf32> to vector<16xf32>
        %get3A_313 = arith.index_cast %add3A_304 : i32 to index
        %get3A_314 = arith.constant 32 : index
        %get3A_315 = tpu.vector_load %arg5[%get3A_313, %get3A_314] {strides = array<i32>} : memref<66x64xf32, #tpu.memory_space<vmem>>, vector<1x16xf32>,
        %get3A_316 = vector.shape_cast %get3A_315 : vector<1x16xf32> to vector<16xf32>
        %get3A_317 = arith.index_cast %add3A_304 : i32 to index
        %get3A_318 = arith.constant 48 : index
        %get3A_319 = tpu.vector_load %arg5[%get3A_317, %get3A_318] {strides = array<i32>} : memref<66x64xf32, #tpu.memory_space<vmem>>, vector<1x16xf32>,
        %get3A_320 = vector.shape_cast %get3A_319 : vector<1x16xf32> to vector<16xf32>
        %scan3A_321 = arith.constant 0 : i32
        %scan3A_322 = arith.constant 0 : i32
        %scan3A_323 = arith.constant 31 : i32
        %scan3A_324 = arith.addi %scan3A_322, %scan3A_323 : i32
        %scan3A_325 = arith.constant 1 : i32
        %scan3A_326 = scf.for %scan3A_328 = %scan3A_322 to %scan3A_324 step %scan3A_325 iter_args(%scan3A_329 = %scan3A_321) -> (i32)  : i32 {
          %add3A_330 = arith.addi %sub3A_217, %scan3A_328 : i32
          %get3A_331 = arith.index_cast %add3A_330 : i32 to index
          %get3A_332 = arith.constant 0 : index
          %get3A_333 = tpu.vector_load %arg6[%get3A_331, %get3A_332] {strides = array<i32>} : memref<66x64xf32, #tpu.memory_space<vmem>>, vector<1x16xf32>,
          %get3A_334 = vector.shape_cast %get3A_333 : vector<1x16xf32> to vector<16xf32>
          %add3A_335 = arith.addf %get3A_308, %get3A_334 : vector<16xf32>
          %add3A_336 = arith.constant 225 : i32
          %add3A_337 = arith.addi %add3A_336, %scan3A_328 : i32
          %swap3A_338 = arith.index_cast %add3A_337 : i32 to index
          %swap3A_339 = arith.constant 0 : index
          %swap3A_340 = tpu.vector_load %arg7[%swap3A_338, %swap3A_339] {strides = array<i32>} : memref<264x64xf32, #tpu.memory_space<vmem>>, vector<1x16xf32>,
          %swap3A_341 = vector.shape_cast %swap3A_340 : vector<1x16xf32> to vector<16xf32>
          %swap3A_342 = vector.shape_cast %add3A_335 : vector<16xf32> to vector<1x16xf32>
          tpu.vector_store %arg7[%swap3A_338, %swap3A_339], %swap3A_342 {strides = array<i32>} : memref<264x64xf32, #tpu.memory_space<vmem>>, vector<1x16xf32>,
          %add3A_343 = arith.addi %sub3A_217, %scan3A_328 : i32
          %get3A_344 = arith.index_cast %add3A_343 : i32 to index
          %get3A_345 = arith.constant 16 : index
          %get3A_346 = tpu.vector_load %arg6[%get3A_344, %get3A_345] {strides = array<i32>} : memref<66x64xf32, #tpu.memory_space<vmem>>, vector<1x16xf32>,
          %get3A_347 = vector.shape_cast %get3A_346 : vector<1x16xf32> to vector<16xf32>
          %add3A_348 = arith.addf %get3A_312, %get3A_347 : vector<16xf32>
          %add3A_349 = arith.constant 225 : i32
          %add3A_350 = arith.addi %add3A_349, %scan3A_328 : i32
          %swap3A_351 = arith.index_cast %add3A_350 : i32 to index
          %swap3A_352 = arith.constant 16 : index
          %swap3A_353 = tpu.vector_load %arg7[%swap3A_351, %swap3A_352] {strides = array<i32>} : memref<264x64xf32, #tpu.memory_space<vmem>>, vector<1x16xf32>,
          %swap3A_354 = vector.shape_cast %swap3A_353 : vector<1x16xf32> to vector<16xf32>
          %swap3A_355 = vector.shape_cast %add3A_348 : vector<16xf32> to vector<1x16xf32>
          tpu.vector_store %arg7[%swap3A_351, %swap3A_352], %swap3A_355 {strides = array<i32>} : memref<264x64xf32, #tpu.memory_space<vmem>>, vector<1x16xf32>,
          %add3A_356 = arith.addi %sub3A_217, %scan3A_328 : i32
          %get3A_357 = arith.index_cast %add3A_356 : i32 to index
          %get3A_358 = arith.constant 32 : index
          %get3A_359 = tpu.vector_load %arg6[%get3A_357, %get3A_358] {strides = array<i32>} : memref<66x64xf32, #tpu.memory_space<vmem>>, vector<1x16xf32>,
          %get3A_360 = vector.shape_cast %get3A_359 : vector<1x16xf32> to vector<16xf32>
          %add3A_361 = arith.addf %get3A_316, %get3A_360 : vector<16xf32>
          %add3A_362 = arith.constant 225 : i32
          %add3A_363 = arith.addi %add3A_362, %scan3A_328 : i32
          %swap3A_364 = arith.index_cast %add3A_363 : i32 to index
          %swap3A_365 = arith.constant 32 : index
          %swap3A_366 = tpu.vector_load %arg7[%swap3A_364, %swap3A_365] {strides = array<i32>} : memref<264x64xf32, #tpu.memory_space<vmem>>, vector<1x16xf32>,
          %swap3A_367 = vector.shape_cast %swap3A_366 : vector<1x16xf32> to vector<16xf32>
          %swap3A_368 = vector.shape_cast %add3A_361 : vector<16xf32> to vector<1x16xf32>
          tpu.vector_store %arg7[%swap3A_364, %swap3A_365], %swap3A_368 {strides = array<i32>} : memref<264x64xf32, #tpu.memory_space<vmem>>, vector<1x16xf32>,
          %add3A_369 = arith.addi %sub3A_217, %scan3A_328 : i32
          %get3A_370 = arith.index_cast %add3A_369 : i32 to index
          %get3A_371 = arith.constant 48 : index
          %get3A_372 = tpu.vector_load %arg6[%get3A_370, %get3A_371] {strides = array<i32>} : memref<66x64xf32, #tpu.memory_space<vmem>>, vector<1x16xf32>,
          %get3A_373 = vector.shape_cast %get3A_372 : vector<1x16xf32> to vector<16xf32>
          %add3A_374 = arith.addf %get3A_320, %get3A_373 : vector<16xf32>
          %add3A_375 = arith.constant 225 : i32
          %add3A_376 = arith.addi %add3A_375, %scan3A_328 : i32
          %swap3A_377 = arith.index_cast %add3A_376 : i32 to index
          %swap3A_378 = arith.constant 48 : index
          %swap3A_379 = tpu.vector_load %arg7[%swap3A_377, %swap3A_378] {strides = array<i32>} : memref<264x64xf32, #tpu.memory_space<vmem>>, vector<1x16xf32>,
          %swap3A_380 = vector.shape_cast %swap3A_379 : vector<1x16xf32> to vector<16xf32>
          %swap3A_381 = vector.shape_cast %add3A_374 : vector<16xf32> to vector<1x16xf32>
          tpu.vector_store %arg7[%swap3A_377, %swap3A_378], %swap3A_381 {strides = array<i32>} : memref<264x64xf32, #tpu.memory_space<vmem>>, vector<1x16xf32>,
          %scan3A_382 = arith.constant 0 : i32
          scf.yield %scan3A_382 : i32
        }
        %scan3A_327 = arith.constant 31 : i32
      } else {
      }
      %eq3A_130 = arith.constant 0 : i32
      %eq3A_131 = arith.cmpi eq, %add3A_57, %eq3A_130 : i32
      %convert_element_type3A_132 = arith.extui %eq3A_131 : i1 to i32
      %cond3A_133 = arith.constant 0 : i32
      %cond3A_134 = arith.cmpi ne, %convert_element_type3A_132, %cond3A_133 : i32
      scf.if %cond3A_134 {
        %get3A = arith.constant 0 : i32
        %get3A_195 = arith.index_cast %get3A : i32 to index
        %get3A_196 = arith.constant 0 : index
        %get3A_197 = tpu.vector_load %arg5[%get3A_195, %get3A_196] {strides = array<i32>} : memref<66x64xf32, #tpu.memory_space<vmem>>, vector<1x16xf32>,
        %get3A_198 = vector.shape_cast %get3A_197 : vector<1x16xf32> to vector<16xf32>
        %get3A_199 = arith.constant 0 : i32
        %get3A_200 = arith.index_cast %get3A_199 : i32 to index
        %get3A_201 = arith.constant 0 : index
        %get3A_202 = tpu.vector_load %arg6[%get3A_200, %get3A_201] {strides = array<i32>} : memref<66x64xf32, #tpu.memory_space<vmem>>, vector<1x16xf32>,
        %get3A_203 = vector.shape_cast %get3A_202 : vector<1x16xf32> to vector<16xf32>
        %add3A_204 = arith.addf %get3A_198, %get3A_203 : vector<16xf32>
        %get3A_205 = arith.constant 0 : i32
        %get3A_206 = arith.index_cast %get3A_205 : i32 to index
        %get3A_207 = arith.constant 16 : index
        %get3A_208 = tpu.vector_load %arg5[%get3A_206, %get3A_207] {strides = array<i32>} : memref<66x64xf32, #tpu.memory_space<vmem>>, vector<1x16xf32>,
        %get3A_209 = vector.shape_cast %get3A_208 : vector<1x16xf32> to vector<16xf32>
        %get3A_210 = arith.constant 0 : i32
        %get3A_211 = arith.index_cast %get3A_210 : i32 to index
        %get3A_212 = arith.constant 16 : index
        %get3A_213 = tpu.vector_load %arg6[%get3A_211, %get3A_212] {strides = array<i32>} : memref<66x64xf32, #tpu.memory_space<vmem>>, vector<1x16xf32>,
        %get3A_214 = vector.shape_cast %get3A_213 : vector<1x16xf32> to vector<16xf32>
        %add3A_215 = arith.addf %get3A_209, %get3A_214 : vector<16xf32>
        %get3A_216 = arith.constant 0 : i32
        %get3A_217 = arith.index_cast %get3A_216 : i32 to index
        %get3A_218 = arith.constant 32 : index
        %get3A_219 = tpu.vector_load %arg5[%get3A_217, %get3A_218] {strides = array<i32>} : memref<66x64xf32, #tpu.memory_space<vmem>>, vector<1x16xf32>,
        %get3A_220 = vector.shape_cast %get3A_219 : vector<1x16xf32> to vector<16xf32>
        %get3A_221 = arith.constant 0 : i32
        %get3A_222 = arith.index_cast %get3A_221 : i32 to index
        %get3A_223 = arith.constant 32 : index
        %get3A_224 = tpu.vector_load %arg6[%get3A_222, %get3A_223] {strides = array<i32>} : memref<66x64xf32, #tpu.memory_space<vmem>>, vector<1x16xf32>,
        %get3A_225 = vector.shape_cast %get3A_224 : vector<1x16xf32> to vector<16xf32>
        %add3A_226 = arith.addf %get3A_220, %get3A_225 : vector<16xf32>
        %get3A_227 = arith.constant 0 : i32
        %get3A_228 = arith.index_cast %get3A_227 : i32 to index
        %get3A_229 = arith.constant 48 : index
        %get3A_230 = tpu.vector_load %arg5[%get3A_228, %get3A_229] {strides = array<i32>} : memref<66x64xf32, #tpu.memory_space<vmem>>, vector<1x16xf32>,
        %get3A_231 = vector.shape_cast %get3A_230 : vector<1x16xf32> to vector<16xf32>
        %get3A_232 = arith.constant 0 : i32
        %get3A_233 = arith.index_cast %get3A_232 : i32 to index
        %get3A_234 = arith.constant 48 : index
        %get3A_235 = tpu.vector_load %arg6[%get3A_233, %get3A_234] {strides = array<i32>} : memref<66x64xf32, #tpu.memory_space<vmem>>, vector<1x16xf32>,
        %get3A_236 = vector.shape_cast %get3A_235 : vector<1x16xf32> to vector<16xf32>
        %add3A_237 = arith.addf %get3A_231, %get3A_236 : vector<16xf32>
        %scan3A_238 = arith.constant 0 : i32
        %scan3A_239 = arith.constant 0 : i32
        %scan3A_240 = arith.constant 257 : i32
        %scan3A_241 = arith.addi %scan3A_239, %scan3A_240 : i32
        %scan3A_242 = arith.constant 1 : i32
        %scan3A_243 = scf.for %scan3A_245 = %scan3A_239 to %scan3A_241 step %scan3A_242 iter_args(%scan3A_246 = %scan3A_238) -> (i32)  : i32 {
          %swap3A = arith.index_cast %scan3A_245 : i32 to index
          %swap3A_247 = arith.constant 0 : index
          %swap3A_248 = tpu.vector_load %arg7[%swap3A, %swap3A_247] {strides = array<i32>} : memref<264x64xf32, #tpu.memory_space<vmem>>, vector<1x16xf32>,
          %swap3A_249 = vector.shape_cast %swap3A_248 : vector<1x16xf32> to vector<16xf32>
          %swap3A_250 = vector.shape_cast %add3A_204 : vector<16xf32> to vector<1x16xf32>
          tpu.vector_store %arg7[%swap3A, %swap3A_247], %swap3A_250 {strides = array<i32>} : memref<264x64xf32, #tpu.memory_space<vmem>>, vector<1x16xf32>,
          %swap3A_251 = arith.index_cast %scan3A_245 : i32 to index
          %swap3A_252 = arith.constant 16 : index
          %swap3A_253 = tpu.vector_load %arg7[%swap3A_251, %swap3A_252] {strides = array<i32>} : memref<264x64xf32, #tpu.memory_space<vmem>>, vector<1x16xf32>,
          %swap3A_254 = vector.shape_cast %swap3A_253 : vector<1x16xf32> to vector<16xf32>
          %swap3A_255 = vector.shape_cast %add3A_215 : vector<16xf32> to vector<1x16xf32>
          tpu.vector_store %arg7[%swap3A_251, %swap3A_252], %swap3A_255 {strides = array<i32>} : memref<264x64xf32, #tpu.memory_space<vmem>>, vector<1x16xf32>,
          %swap3A_256 = arith.index_cast %scan3A_245 : i32 to index
          %swap3A_257 = arith.constant 32 : index
          %swap3A_258 = tpu.vector_load %arg7[%swap3A_256, %swap3A_257] {strides = array<i32>} : memref<264x64xf32, #tpu.memory_space<vmem>>, vector<1x16xf32>,
          %swap3A_259 = vector.shape_cast %swap3A_258 : vector<1x16xf32> to vector<16xf32>
          %swap3A_260 = vector.shape_cast %add3A_226 : vector<16xf32> to vector<1x16xf32>
          tpu.vector_store %arg7[%swap3A_256, %swap3A_257], %swap3A_260 {strides = array<i32>} : memref<264x64xf32, #tpu.memory_space<vmem>>, vector<1x16xf32>,
          %swap3A_261 = arith.index_cast %scan3A_245 : i32 to index
          %swap3A_262 = arith.constant 48 : index
          %swap3A_263 = tpu.vector_load %arg7[%swap3A_261, %swap3A_262] {strides = array<i32>} : memref<264x64xf32, #tpu.memory_space<vmem>>, vector<1x16xf32>,
          %swap3A_264 = vector.shape_cast %swap3A_263 : vector<1x16xf32> to vector<16xf32>
          %swap3A_265 = vector.shape_cast %add3A_237 : vector<16xf32> to vector<1x16xf32>
          tpu.vector_store %arg7[%swap3A_261, %swap3A_262], %swap3A_265 {strides = array<i32>} : memref<264x64xf32, #tpu.memory_space<vmem>>, vector<1x16xf32>,
          %scan3A_266 = arith.constant 0 : i32
          scf.yield %scan3A_266 : i32
        }
        %scan3A_244 = arith.constant 257 : i32
      } else {
      }
      %dma_start3A_135 = arith.constant 0 : i32
      %dma_start3A_136 = arith.constant 0 : i32
      %dma_start3A_137 = tpu.memref_slice %arg7[%dma_start3A_135, %dma_start3A_136] : memref<264x64xf32, #tpu.memory_space<vmem>> -> memref<256x64xf32, #tpu.memory_space<vmem>>
      %dma_start3A_138 = arith.constant 512 : i32
      %dma_start3A_139 = arith.constant 0 : i32
      %dma_start3A_140 = tpu.memref_slice %arg4[%add3A_57, %dma_start3A_138, %dma_start3A_139] : memref<1025x1025x64xf32, #tpu.memory_space<hbm>> -> memref<1x256x64xf32, #tpu.memory_space<hbm>>
      %dma_start3A_141 = tpu.memref_squeeze %dma_start3A_140 : memref<1x256x64xf32, #tpu.memory_space<hbm>> -> memref<256x64xf32, #tpu.memory_space<hbm>>
      %dma_start3A_142 = arith.constant 512 : i32
      %dma_start3A_143 = arith.constant 0 : i32
      %dma_start3A_144 = tpu.memref_slice %arg4[%add3A_57, %dma_start3A_142, %dma_start3A_143] : memref<1025x1025x64xf32, #tpu.memory_space<hbm>> -> memref<1x256x64xf32, #tpu.memory_space<hbm>>
      %dma_start3A_145 = tpu.memref_squeeze %dma_start3A_144 : memref<1x256x64xf32, #tpu.memory_space<hbm>> -> memref<256x64xf32, #tpu.memory_space<hbm>>
      %dma_start3A_146 = arith.constant 0 : i32
      %dma_start3A_147 = arith.constant 0 : i32
      %dma_start3A_148 = tpu.memref_slice %arg7[%dma_start3A_146, %dma_start3A_147] : memref<264x64xf32, #tpu.memory_space<vmem>> -> memref<256x64xf32, #tpu.memory_space<vmem>>
      tpu.enqueue_dma source(%dma_start3A_148 : memref<256x64xf32, #tpu.memory_space<vmem>>) target(%dma_start3A_145 : memref<256x64xf32, #tpu.memory_space<hbm>>) target_semaphore(%arg9 : memref<!tpu.dma_semaphore, #tpu.memory_space<semaphore_mem>>)
      %not3A_149 = arith.constant true
      %not3A_150 = arith.xori %eq3A_59, %not3A_149 : i1
      %or3A_151 = arith.constant true
      %or3A_152 = arith.ori %not3A_150, %or3A_151 : i1
      %convert_element_type3A_153 = arith.extui %or3A_152 : i1 to i32
      %cond3A_154 = arith.constant 0 : i32
      %cond3A_155 = arith.cmpi ne, %convert_element_type3A_153, %cond3A_154 : i32
      scf.if %cond3A_155 {
        %dma_wait3A_195 = arith.constant 0 : i32
        %dma_wait3A_196 = arith.constant 0 : i32
        %dma_wait3A_197 = arith.constant 0 : i32
        %dma_wait3A_198 = tpu.memref_slice %arg8[%dma_wait3A_196, %dma_wait3A_197] : memref<264x64xf32, #tpu.memory_space<vmem>> -> memref<256x64xf32, #tpu.memory_space<vmem>>
        %dma_wait3A_199 = arith.constant 0 : i32
        %dma_wait3A_200 = arith.constant 0 : i32
        %dma_wait3A_201 = tpu.memref_slice %arg4[%dma_wait3A_195, %dma_wait3A_199, %dma_wait3A_200] : memref<1025x1025x64xf32, #tpu.memory_space<hbm>> -> memref<1x256x64xf32, #tpu.memory_space<hbm>>
        %dma_wait3A_202 = tpu.memref_squeeze %dma_wait3A_201 : memref<1x256x64xf32, #tpu.memory_space<hbm>> -> memref<256x64xf32, #tpu.memory_space<hbm>>
        %dma_wait3A_203 = arith.constant 0 : i32
        %dma_wait3A_204 = arith.constant 0 : i32
        %dma_wait3A_205 = tpu.memref_slice %arg4[%dma_wait3A_195, %dma_wait3A_203, %dma_wait3A_204] : memref<1025x1025x64xf32, #tpu.memory_space<hbm>> -> memref<1x256x64xf32, #tpu.memory_space<hbm>>
        %dma_wait3A_206 = tpu.memref_squeeze %dma_wait3A_205 : memref<1x256x64xf32, #tpu.memory_space<hbm>> -> memref<256x64xf32, #tpu.memory_space<hbm>>
        %dma_wait3A_207 = arith.constant 0 : i32
        %dma_wait3A_208 = arith.constant 0 : i32
        %dma_wait3A_209 = tpu.memref_slice %arg8[%dma_wait3A_207, %dma_wait3A_208] : memref<264x64xf32, #tpu.memory_space<vmem>> -> memref<256x64xf32, #tpu.memory_space<vmem>>
        tpu.wait_dma2 semaphore(%arg10 : memref<!tpu.dma_semaphore, #tpu.memory_space<semaphore_mem>>) src(%dma_wait3A_209 : memref<256x64xf32, #tpu.memory_space<vmem>>) dst(%dma_wait3A_206 : memref<256x64xf32, #tpu.memory_space<hbm>>)
      } else {
      }
      %lt3A_156 = arith.constant 0 : i32
      %lt3A_157 = arith.cmpi slt, %add3A_57, %lt3A_156 : i32
      %convert_element_type3A_158 = arith.extui %lt3A_157 : i1 to i32
      %cond3A_159 = arith.constant 0 : i32
      %cond3A_160 = arith.cmpi ne, %convert_element_type3A_158, %cond3A_159 : i32
      scf.if %cond3A_160 {
        %sub3A = arith.constant 1 : i32
        %sub3A_195 = arith.subi %add3A_57, %sub3A : i32
        %jit3A = arith.constant 32 : i32
        %div3A = arith.divsi %sub3A_195, %jit3A : i32
        %sign3A = arith.constant 0 : i32
        %sign3A_196 = arith.cmpi sgt, %sub3A_195, %sign3A : i32
        %sign3A_197 = arith.extui %sign3A_196 : i1 to i32
        %sign3A_198 = arith.constant 0 : i32
        %sign3A_199 = arith.cmpi slt, %sub3A_195, %sign3A_198 : i32
        %sign3A_200 = arith.extui %sign3A_199 : i1 to i32
        %sign3A_201 = arith.subi %sign3A_197, %sign3A_200 : i32
        %sign3A_202 = arith.constant 0 : i32
        %sign3A_203 = arith.cmpi sgt, %jit3A, %sign3A_202 : i32
        %sign3A_204 = arith.extui %sign3A_203 : i1 to i32
        %sign3A_205 = arith.constant 0 : i32
        %sign3A_206 = arith.cmpi slt, %jit3A, %sign3A_205 : i32
        %sign3A_207 = arith.extui %sign3A_206 : i1 to i32
        %sign3A_208 = arith.subi %sign3A_204, %sign3A_207 : i32
        %ne3A = arith.cmpi ne, %sign3A_201, %sign3A_208 : i32
        %rem3A = arith.remsi %sub3A_195, %jit3A : i32
        %ne3A_209 = arith.constant 0 : i32
        %ne3A_210 = arith.cmpi ne, %rem3A, %ne3A_209 : i32
        %and3A = arith.andi %ne3A, %ne3A_210 : i1
        %sub3A_211 = arith.constant 1 : i32
        %sub3A_212 = arith.subi %div3A, %sub3A_211 : i32
        %select_n3A = arith.select %and3A, %sub3A_212, %div3A : i32
        %mul3A_213 = arith.constant 32 : i32
        %mul3A_214 = arith.muli %select_n3A, %mul3A_213 : i32
        %sub3A_215 = arith.subi %sub3A_195, %mul3A_214 : i32
        %sub3A_216 = arith.constant 33 : i32
        %sub3A_217 = arith.subi %sub3A_216, %sub3A_215 : i32
        %sub3A_218 = arith.constant 33 : i32
        %sub3A_219 = arith.subi %sub3A_218, %select_n3A : i32
        %add3A_220 = arith.constant 23 : i32
        %add3A_221 = arith.addi %sub3A_219, %add3A_220 : i32
        %get3A = arith.index_cast %add3A_221 : i32 to index
        %get3A_222 = arith.constant 0 : index
        %get3A_223 = tpu.vector_load %arg5[%get3A, %get3A_222] {strides = array<i32>} : memref<66x64xf32, #tpu.memory_space<vmem>>, vector<1x16xf32>,
        %get3A_224 = vector.shape_cast %get3A_223 : vector<1x16xf32> to vector<16xf32>
        %add3A_225 = arith.constant 31 : i32
        %add3A_226 = arith.addi %sub3A_217, %add3A_225 : i32
        %get3A_227 = arith.index_cast %add3A_226 : i32 to index
        %get3A_228 = arith.constant 0 : index
        %get3A_229 = tpu.vector_load %arg6[%get3A_227, %get3A_228] {strides = array<i32>} : memref<66x64xf32, #tpu.memory_space<vmem>>, vector<1x16xf32>,
        %get3A_230 = vector.shape_cast %get3A_229 : vector<1x16xf32> to vector<16xf32>
        %add3A_231 = arith.addf %get3A_224, %get3A_230 : vector<16xf32>
        %swap3A = arith.constant 0 : i32
        %swap3A_232 = arith.index_cast %swap3A : i32 to index
        %swap3A_233 = arith.constant 0 : index
        %swap3A_234 = tpu.vector_load %arg8[%swap3A_232, %swap3A_233] {strides = array<i32>} : memref<264x64xf32, #tpu.memory_space<vmem>>, vector<1x16xf32>,
        %swap3A_235 = vector.shape_cast %swap3A_234 : vector<1x16xf32> to vector<16xf32>
        %swap3A_236 = vector.shape_cast %add3A_231 : vector<16xf32> to vector<1x16xf32>
        tpu.vector_store %arg8[%swap3A_232, %swap3A_233], %swap3A_236 {strides = array<i32>} : memref<264x64xf32, #tpu.memory_space<vmem>>, vector<1x16xf32>,
        %add3A_237 = arith.constant 23 : i32
        %add3A_238 = arith.addi %sub3A_219, %add3A_237 : i32
        %get3A_239 = arith.index_cast %add3A_238 : i32 to index
        %get3A_240 = arith.constant 16 : index
        %get3A_241 = tpu.vector_load %arg5[%get3A_239, %get3A_240] {strides = array<i32>} : memref<66x64xf32, #tpu.memory_space<vmem>>, vector<1x16xf32>,
        %get3A_242 = vector.shape_cast %get3A_241 : vector<1x16xf32> to vector<16xf32>
        %add3A_243 = arith.constant 31 : i32
        %add3A_244 = arith.addi %sub3A_217, %add3A_243 : i32
        %get3A_245 = arith.index_cast %add3A_244 : i32 to index
        %get3A_246 = arith.constant 16 : index
        %get3A_247 = tpu.vector_load %arg6[%get3A_245, %get3A_246] {strides = array<i32>} : memref<66x64xf32, #tpu.memory_space<vmem>>, vector<1x16xf32>,
        %get3A_248 = vector.shape_cast %get3A_247 : vector<1x16xf32> to vector<16xf32>
        %add3A_249 = arith.addf %get3A_242, %get3A_248 : vector<16xf32>
        %swap3A_250 = arith.constant 0 : i32
        %swap3A_251 = arith.index_cast %swap3A_250 : i32 to index
        %swap3A_252 = arith.constant 16 : index
        %swap3A_253 = tpu.vector_load %arg8[%swap3A_251, %swap3A_252] {strides = array<i32>} : memref<264x64xf32, #tpu.memory_space<vmem>>, vector<1x16xf32>,
        %swap3A_254 = vector.shape_cast %swap3A_253 : vector<1x16xf32> to vector<16xf32>
        %swap3A_255 = vector.shape_cast %add3A_249 : vector<16xf32> to vector<1x16xf32>
        tpu.vector_store %arg8[%swap3A_251, %swap3A_252], %swap3A_255 {strides = array<i32>} : memref<264x64xf32, #tpu.memory_space<vmem>>, vector<1x16xf32>,
        %add3A_256 = arith.constant 23 : i32
        %add3A_257 = arith.addi %sub3A_219, %add3A_256 : i32
        %get3A_258 = arith.index_cast %add3A_257 : i32 to index
        %get3A_259 = arith.constant 32 : index
        %get3A_260 = tpu.vector_load %arg5[%get3A_258, %get3A_259] {strides = array<i32>} : memref<66x64xf32, #tpu.memory_space<vmem>>, vector<1x16xf32>,
        %get3A_261 = vector.shape_cast %get3A_260 : vector<1x16xf32> to vector<16xf32>
        %add3A_262 = arith.constant 31 : i32
        %add3A_263 = arith.addi %sub3A_217, %add3A_262 : i32
        %get3A_264 = arith.index_cast %add3A_263 : i32 to index
        %get3A_265 = arith.constant 32 : index
        %get3A_266 = tpu.vector_load %arg6[%get3A_264, %get3A_265] {strides = array<i32>} : memref<66x64xf32, #tpu.memory_space<vmem>>, vector<1x16xf32>,
        %get3A_267 = vector.shape_cast %get3A_266 : vector<1x16xf32> to vector<16xf32>
        %add3A_268 = arith.addf %get3A_261, %get3A_267 : vector<16xf32>
        %swap3A_269 = arith.constant 0 : i32
        %swap3A_270 = arith.index_cast %swap3A_269 : i32 to index
        %swap3A_271 = arith.constant 32 : index
        %swap3A_272 = tpu.vector_load %arg8[%swap3A_270, %swap3A_271] {strides = array<i32>} : memref<264x64xf32, #tpu.memory_space<vmem>>, vector<1x16xf32>,
        %swap3A_273 = vector.shape_cast %swap3A_272 : vector<1x16xf32> to vector<16xf32>
        %swap3A_274 = vector.shape_cast %add3A_268 : vector<16xf32> to vector<1x16xf32>
        tpu.vector_store %arg8[%swap3A_270, %swap3A_271], %swap3A_274 {strides = array<i32>} : memref<264x64xf32, #tpu.memory_space<vmem>>, vector<1x16xf32>,
        %add3A_275 = arith.constant 23 : i32
        %add3A_276 = arith.addi %sub3A_219, %add3A_275 : i32
        %get3A_277 = arith.index_cast %add3A_276 : i32 to index
        %get3A_278 = arith.constant 48 : index
        %get3A_279 = tpu.vector_load %arg5[%get3A_277, %get3A_278] {strides = array<i32>} : memref<66x64xf32, #tpu.memory_space<vmem>>, vector<1x16xf32>,
        %get3A_280 = vector.shape_cast %get3A_279 : vector<1x16xf32> to vector<16xf32>
        %add3A_281 = arith.constant 31 : i32
        %add3A_282 = arith.addi %sub3A_217, %add3A_281 : i32
        %get3A_283 = arith.index_cast %add3A_282 : i32 to index
        %get3A_284 = arith.constant 48 : index
        %get3A_285 = tpu.vector_load %arg6[%get3A_283, %get3A_284] {strides = array<i32>} : memref<66x64xf32, #tpu.memory_space<vmem>>, vector<1x16xf32>,
        %get3A_286 = vector.shape_cast %get3A_285 : vector<1x16xf32> to vector<16xf32>
        %add3A_287 = arith.addf %get3A_280, %get3A_286 : vector<16xf32>
        %swap3A_288 = arith.constant 0 : i32
        %swap3A_289 = arith.index_cast %swap3A_288 : i32 to index
        %swap3A_290 = arith.constant 48 : index
        %swap3A_291 = tpu.vector_load %arg8[%swap3A_289, %swap3A_290] {strides = array<i32>} : memref<264x64xf32, #tpu.memory_space<vmem>>, vector<1x16xf32>,
        %swap3A_292 = vector.shape_cast %swap3A_291 : vector<1x16xf32> to vector<16xf32>
        %swap3A_293 = vector.shape_cast %add3A_287 : vector<16xf32> to vector<1x16xf32>
        tpu.vector_store %arg8[%swap3A_289, %swap3A_290], %swap3A_293 {strides = array<i32>} : memref<264x64xf32, #tpu.memory_space<vmem>>, vector<1x16xf32>,
        %scan3A_294 = arith.constant 0 : i32
        %scan3A_295 = arith.constant 0 : i32
        %scan3A_296 = arith.constant 7 : i32
        %scan3A_297 = arith.addi %scan3A_295, %scan3A_296 : i32
        %scan3A_298 = arith.constant 1 : i32
        %scan3A_299 = scf.for %scan3A_404 = %scan3A_295 to %scan3A_297 step %scan3A_298 iter_args(%scan3A_405 = %scan3A_294) -> (i32)  : i32 {
          %add3A_406 = arith.constant 24 : i32
          %add3A_407 = arith.addi %sub3A_219, %add3A_406 : i32
          %add3A_408 = arith.addi %add3A_407, %scan3A_404 : i32
          %get3A_409 = arith.index_cast %add3A_408 : i32 to index
          %get3A_410 = arith.constant 0 : index
          %get3A_411 = tpu.vector_load %arg5[%get3A_409, %get3A_410] {strides = array<i32>} : memref<66x64xf32, #tpu.memory_space<vmem>>, vector<1x16xf32>,
          %get3A_412 = vector.shape_cast %get3A_411 : vector<1x16xf32> to vector<16xf32>
          %get3A_413 = arith.index_cast %add3A_408 : i32 to index
          %get3A_414 = arith.constant 16 : index
          %get3A_415 = tpu.vector_load %arg5[%get3A_413, %get3A_414] {strides = array<i32>} : memref<66x64xf32, #tpu.memory_space<vmem>>, vector<1x16xf32>,
          %get3A_416 = vector.shape_cast %get3A_415 : vector<1x16xf32> to vector<16xf32>
          %get3A_417 = arith.index_cast %add3A_408 : i32 to index
          %get3A_418 = arith.constant 32 : index
          %get3A_419 = tpu.vector_load %arg5[%get3A_417, %get3A_418] {strides = array<i32>} : memref<66x64xf32, #tpu.memory_space<vmem>>, vector<1x16xf32>,
          %get3A_420 = vector.shape_cast %get3A_419 : vector<1x16xf32> to vector<16xf32>
          %get3A_421 = arith.index_cast %add3A_408 : i32 to index
          %get3A_422 = arith.constant 48 : index
          %get3A_423 = tpu.vector_load %arg5[%get3A_421, %get3A_422] {strides = array<i32>} : memref<66x64xf32, #tpu.memory_space<vmem>>, vector<1x16xf32>,
          %get3A_424 = vector.shape_cast %get3A_423 : vector<1x16xf32> to vector<16xf32>
          %mul3A_425 = arith.constant 32 : i32
          %mul3A_426 = arith.muli %mul3A_425, %scan3A_404 : i32
          %add3A_427 = arith.constant 1 : i32
          %add3A_428 = arith.addi %add3A_427, %mul3A_426 : i32
          %scan3A_429 = arith.constant 0 : i32
          %scan3A_430 = arith.constant 0 : i32
          %scan3A_431 = arith.constant 32 : i32
          %scan3A_432 = arith.addi %scan3A_430, %scan3A_431 : i32
          %scan3A_433 = arith.constant 1 : i32
          %scan3A_434 = scf.for %scan3A_437 = %scan3A_430 to %scan3A_432 step %scan3A_433 iter_args(%scan3A_438 = %scan3A_429) -> (i32)  : i32 {
            %add3A_439 = arith.addi %sub3A_217, %scan3A_437 : i32
            %get3A_440 = arith.index_cast %add3A_439 : i32 to index
            %get3A_441 = arith.constant 0 : index
            %get3A_442 = tpu.vector_load %arg6[%get3A_440, %get3A_441] {strides = array<i32>} : memref<66x64xf32, #tpu.memory_space<vmem>>, vector<1x16xf32>,
            %get3A_443 = vector.shape_cast %get3A_442 : vector<1x16xf32> to vector<16xf32>
            %add3A_444 = arith.addf %get3A_412, %get3A_443 : vector<16xf32>
            %add3A_445 = arith.addi %add3A_428, %scan3A_437 : i32
            %swap3A_446 = arith.index_cast %add3A_445 : i32 to index
            %swap3A_447 = arith.constant 0 : index
            %swap3A_448 = tpu.vector_load %arg8[%swap3A_446, %swap3A_447] {strides = array<i32>} : memref<264x64xf32, #tpu.memory_space<vmem>>, vector<1x16xf32>,
            %swap3A_449 = vector.shape_cast %swap3A_448 : vector<1x16xf32> to vector<16xf32>
            %swap3A_450 = vector.shape_cast %add3A_444 : vector<16xf32> to vector<1x16xf32>
            tpu.vector_store %arg8[%swap3A_446, %swap3A_447], %swap3A_450 {strides = array<i32>} : memref<264x64xf32, #tpu.memory_space<vmem>>, vector<1x16xf32>,
            %add3A_451 = arith.addi %sub3A_217, %scan3A_437 : i32
            %get3A_452 = arith.index_cast %add3A_451 : i32 to index
            %get3A_453 = arith.constant 16 : index
            %get3A_454 = tpu.vector_load %arg6[%get3A_452, %get3A_453] {strides = array<i32>} : memref<66x64xf32, #tpu.memory_space<vmem>>, vector<1x16xf32>,
            %get3A_455 = vector.shape_cast %get3A_454 : vector<1x16xf32> to vector<16xf32>
            %add3A_456 = arith.addf %get3A_416, %get3A_455 : vector<16xf32>
            %add3A_457 = arith.addi %add3A_428, %scan3A_437 : i32
            %swap3A_458 = arith.index_cast %add3A_457 : i32 to index
            %swap3A_459 = arith.constant 16 : index
            %swap3A_460 = tpu.vector_load %arg8[%swap3A_458, %swap3A_459] {strides = array<i32>} : memref<264x64xf32, #tpu.memory_space<vmem>>, vector<1x16xf32>,
            %swap3A_461 = vector.shape_cast %swap3A_460 : vector<1x16xf32> to vector<16xf32>
            %swap3A_462 = vector.shape_cast %add3A_456 : vector<16xf32> to vector<1x16xf32>
            tpu.vector_store %arg8[%swap3A_458, %swap3A_459], %swap3A_462 {strides = array<i32>} : memref<264x64xf32, #tpu.memory_space<vmem>>, vector<1x16xf32>,
            %add3A_463 = arith.addi %sub3A_217, %scan3A_437 : i32
            %get3A_464 = arith.index_cast %add3A_463 : i32 to index
            %get3A_465 = arith.constant 32 : index
            %get3A_466 = tpu.vector_load %arg6[%get3A_464, %get3A_465] {strides = array<i32>} : memref<66x64xf32, #tpu.memory_space<vmem>>, vector<1x16xf32>,
            %get3A_467 = vector.shape_cast %get3A_466 : vector<1x16xf32> to vector<16xf32>
            %add3A_468 = arith.addf %get3A_420, %get3A_467 : vector<16xf32>
            %add3A_469 = arith.addi %add3A_428, %scan3A_437 : i32
            %swap3A_470 = arith.index_cast %add3A_469 : i32 to index
            %swap3A_471 = arith.constant 32 : index
            %swap3A_472 = tpu.vector_load %arg8[%swap3A_470, %swap3A_471] {strides = array<i32>} : memref<264x64xf32, #tpu.memory_space<vmem>>, vector<1x16xf32>,
            %swap3A_473 = vector.shape_cast %swap3A_472 : vector<1x16xf32> to vector<16xf32>
            %swap3A_474 = vector.shape_cast %add3A_468 : vector<16xf32> to vector<1x16xf32>
            tpu.vector_store %arg8[%swap3A_470, %swap3A_471], %swap3A_474 {strides = array<i32>} : memref<264x64xf32, #tpu.memory_space<vmem>>, vector<1x16xf32>,
            %add3A_475 = arith.addi %sub3A_217, %scan3A_437 : i32
            %get3A_476 = arith.index_cast %add3A_475 : i32 to index
            %get3A_477 = arith.constant 48 : index
            %get3A_478 = tpu.vector_load %arg6[%get3A_476, %get3A_477] {strides = array<i32>} : memref<66x64xf32, #tpu.memory_space<vmem>>, vector<1x16xf32>,
            %get3A_479 = vector.shape_cast %get3A_478 : vector<1x16xf32> to vector<16xf32>
            %add3A_480 = arith.addf %get3A_424, %get3A_479 : vector<16xf32>
            %add3A_481 = arith.addi %add3A_428, %scan3A_437 : i32
            %swap3A_482 = arith.index_cast %add3A_481 : i32 to index
            %swap3A_483 = arith.constant 48 : index
            %swap3A_484 = tpu.vector_load %arg8[%swap3A_482, %swap3A_483] {strides = array<i32>} : memref<264x64xf32, #tpu.memory_space<vmem>>, vector<1x16xf32>,
            %swap3A_485 = vector.shape_cast %swap3A_484 : vector<1x16xf32> to vector<16xf32>
            %swap3A_486 = vector.shape_cast %add3A_480 : vector<16xf32> to vector<1x16xf32>
            tpu.vector_store %arg8[%swap3A_482, %swap3A_483], %swap3A_486 {strides = array<i32>} : memref<264x64xf32, #tpu.memory_space<vmem>>, vector<1x16xf32>,
            %scan3A_487 = arith.constant 0 : i32
            scf.yield %scan3A_487 : i32
          }
          %scan3A_435 = arith.constant 32 : i32
          %scan3A_436 = arith.constant 0 : i32
          scf.yield %scan3A_436 : i32
        }
        %scan3A_300 = arith.constant 7 : i32
        %add3A_301 = arith.constant 24 : i32
        %add3A_302 = arith.addi %sub3A_219, %add3A_301 : i32
        %add3A_303 = arith.constant 7 : i32
        %add3A_304 = arith.addi %add3A_302, %add3A_303 : i32
        %get3A_305 = arith.index_cast %add3A_304 : i32 to index
        %get3A_306 = arith.constant 0 : index
        %get3A_307 = tpu.vector_load %arg5[%get3A_305, %get3A_306] {strides = array<i32>} : memref<66x64xf32, #tpu.memory_space<vmem>>, vector<1x16xf32>,
        %get3A_308 = vector.shape_cast %get3A_307 : vector<1x16xf32> to vector<16xf32>
        %get3A_309 = arith.index_cast %add3A_304 : i32 to index
        %get3A_310 = arith.constant 16 : index
        %get3A_311 = tpu.vector_load %arg5[%get3A_309, %get3A_310] {strides = array<i32>} : memref<66x64xf32, #tpu.memory_space<vmem>>, vector<1x16xf32>,
        %get3A_312 = vector.shape_cast %get3A_311 : vector<1x16xf32> to vector<16xf32>
        %get3A_313 = arith.index_cast %add3A_304 : i32 to index
        %get3A_314 = arith.constant 32 : index
        %get3A_315 = tpu.vector_load %arg5[%get3A_313, %get3A_314] {strides = array<i32>} : memref<66x64xf32, #tpu.memory_space<vmem>>, vector<1x16xf32>,
        %get3A_316 = vector.shape_cast %get3A_315 : vector<1x16xf32> to vector<16xf32>
        %get3A_317 = arith.index_cast %add3A_304 : i32 to index
        %get3A_318 = arith.constant 48 : index
        %get3A_319 = tpu.vector_load %arg5[%get3A_317, %get3A_318] {strides = array<i32>} : memref<66x64xf32, #tpu.memory_space<vmem>>, vector<1x16xf32>,
        %get3A_320 = vector.shape_cast %get3A_319 : vector<1x16xf32> to vector<16xf32>
        %scan3A_321 = arith.constant 0 : i32
        %scan3A_322 = arith.constant 0 : i32
        %scan3A_323 = arith.constant 31 : i32
        %scan3A_324 = arith.addi %scan3A_322, %scan3A_323 : i32
        %scan3A_325 = arith.constant 1 : i32
        %scan3A_326 = scf.for %scan3A_404 = %scan3A_322 to %scan3A_324 step %scan3A_325 iter_args(%scan3A_405 = %scan3A_321) -> (i32)  : i32 {
          %add3A_406 = arith.addi %sub3A_217, %scan3A_404 : i32
          %get3A_407 = arith.index_cast %add3A_406 : i32 to index
          %get3A_408 = arith.constant 0 : index
          %get3A_409 = tpu.vector_load %arg6[%get3A_407, %get3A_408] {strides = array<i32>} : memref<66x64xf32, #tpu.memory_space<vmem>>, vector<1x16xf32>,
          %get3A_410 = vector.shape_cast %get3A_409 : vector<1x16xf32> to vector<16xf32>
          %add3A_411 = arith.addf %get3A_308, %get3A_410 : vector<16xf32>
          %add3A_412 = arith.constant 225 : i32
          %add3A_413 = arith.addi %add3A_412, %scan3A_404 : i32
          %swap3A_414 = arith.index_cast %add3A_413 : i32 to index
          %swap3A_415 = arith.constant 0 : index
          %swap3A_416 = tpu.vector_load %arg8[%swap3A_414, %swap3A_415] {strides = array<i32>} : memref<264x64xf32, #tpu.memory_space<vmem>>, vector<1x16xf32>,
          %swap3A_417 = vector.shape_cast %swap3A_416 : vector<1x16xf32> to vector<16xf32>
          %swap3A_418 = vector.shape_cast %add3A_411 : vector<16xf32> to vector<1x16xf32>
          tpu.vector_store %arg8[%swap3A_414, %swap3A_415], %swap3A_418 {strides = array<i32>} : memref<264x64xf32, #tpu.memory_space<vmem>>, vector<1x16xf32>,
          %add3A_419 = arith.addi %sub3A_217, %scan3A_404 : i32
          %get3A_420 = arith.index_cast %add3A_419 : i32 to index
          %get3A_421 = arith.constant 16 : index
          %get3A_422 = tpu.vector_load %arg6[%get3A_420, %get3A_421] {strides = array<i32>} : memref<66x64xf32, #tpu.memory_space<vmem>>, vector<1x16xf32>,
          %get3A_423 = vector.shape_cast %get3A_422 : vector<1x16xf32> to vector<16xf32>
          %add3A_424 = arith.addf %get3A_312, %get3A_423 : vector<16xf32>
          %add3A_425 = arith.constant 225 : i32
          %add3A_426 = arith.addi %add3A_425, %scan3A_404 : i32
          %swap3A_427 = arith.index_cast %add3A_426 : i32 to index
          %swap3A_428 = arith.constant 16 : index
          %swap3A_429 = tpu.vector_load %arg8[%swap3A_427, %swap3A_428] {strides = array<i32>} : memref<264x64xf32, #tpu.memory_space<vmem>>, vector<1x16xf32>,
          %swap3A_430 = vector.shape_cast %swap3A_429 : vector<1x16xf32> to vector<16xf32>
          %swap3A_431 = vector.shape_cast %add3A_424 : vector<16xf32> to vector<1x16xf32>
          tpu.vector_store %arg8[%swap3A_427, %swap3A_428], %swap3A_431 {strides = array<i32>} : memref<264x64xf32, #tpu.memory_space<vmem>>, vector<1x16xf32>,
          %add3A_432 = arith.addi %sub3A_217, %scan3A_404 : i32
          %get3A_433 = arith.index_cast %add3A_432 : i32 to index
          %get3A_434 = arith.constant 32 : index
          %get3A_435 = tpu.vector_load %arg6[%get3A_433, %get3A_434] {strides = array<i32>} : memref<66x64xf32, #tpu.memory_space<vmem>>, vector<1x16xf32>,
          %get3A_436 = vector.shape_cast %get3A_435 : vector<1x16xf32> to vector<16xf32>
          %add3A_437 = arith.addf %get3A_316, %get3A_436 : vector<16xf32>
          %add3A_438 = arith.constant 225 : i32
          %add3A_439 = arith.addi %add3A_438, %scan3A_404 : i32
          %swap3A_440 = arith.index_cast %add3A_439 : i32 to index
          %swap3A_441 = arith.constant 32 : index
          %swap3A_442 = tpu.vector_load %arg8[%swap3A_440, %swap3A_441] {strides = array<i32>} : memref<264x64xf32, #tpu.memory_space<vmem>>, vector<1x16xf32>,
          %swap3A_443 = vector.shape_cast %swap3A_442 : vector<1x16xf32> to vector<16xf32>
          %swap3A_444 = vector.shape_cast %add3A_437 : vector<16xf32> to vector<1x16xf32>
          tpu.vector_store %arg8[%swap3A_440, %swap3A_441], %swap3A_444 {strides = array<i32>} : memref<264x64xf32, #tpu.memory_space<vmem>>, vector<1x16xf32>,
          %add3A_445 = arith.addi %sub3A_217, %scan3A_404 : i32
          %get3A_446 = arith.index_cast %add3A_445 : i32 to index
          %get3A_447 = arith.constant 48 : index
          %get3A_448 = tpu.vector_load %arg6[%get3A_446, %get3A_447] {strides = array<i32>} : memref<66x64xf32, #tpu.memory_space<vmem>>, vector<1x16xf32>,
          %get3A_449 = vector.shape_cast %get3A_448 : vector<1x16xf32> to vector<16xf32>
          %add3A_450 = arith.addf %get3A_320, %get3A_449 : vector<16xf32>
          %add3A_451 = arith.constant 225 : i32
          %add3A_452 = arith.addi %add3A_451, %scan3A_404 : i32
          %swap3A_453 = arith.index_cast %add3A_452 : i32 to index
          %swap3A_454 = arith.constant 48 : index
          %swap3A_455 = tpu.vector_load %arg8[%swap3A_453, %swap3A_454] {strides = array<i32>} : memref<264x64xf32, #tpu.memory_space<vmem>>, vector<1x16xf32>,
          %swap3A_456 = vector.shape_cast %swap3A_455 : vector<1x16xf32> to vector<16xf32>
          %swap3A_457 = vector.shape_cast %add3A_450 : vector<16xf32> to vector<1x16xf32>
          tpu.vector_store %arg8[%swap3A_453, %swap3A_454], %swap3A_457 {strides = array<i32>} : memref<264x64xf32, #tpu.memory_space<vmem>>, vector<1x16xf32>,
          %scan3A_458 = arith.constant 0 : i32
          scf.yield %scan3A_458 : i32
        }
        %scan3A_327 = arith.constant 31 : i32
        %add3A_328 = arith.constant 31 : i32
        %add3A_329 = arith.addi %sub3A_219, %add3A_328 : i32
        %get3A_330 = arith.index_cast %add3A_329 : i32 to index
        %get3A_331 = arith.constant 0 : index
        %get3A_332 = tpu.vector_load %arg5[%get3A_330, %get3A_331] {strides = array<i32>} : memref<66x64xf32, #tpu.memory_space<vmem>>, vector<1x16xf32>,
        %get3A_333 = vector.shape_cast %get3A_332 : vector<1x16xf32> to vector<16xf32>
        %add3A_334 = arith.constant 31 : i32
        %add3A_335 = arith.addi %sub3A_217, %add3A_334 : i32
        %get3A_336 = arith.index_cast %add3A_335 : i32 to index
        %get3A_337 = arith.constant 0 : index
        %get3A_338 = tpu.vector_load %arg6[%get3A_336, %get3A_337] {strides = array<i32>} : memref<66x64xf32, #tpu.memory_space<vmem>>, vector<1x16xf32>,
        %get3A_339 = vector.shape_cast %get3A_338 : vector<1x16xf32> to vector<16xf32>
        %add3A_340 = arith.addf %get3A_333, %get3A_339 : vector<16xf32>
        %swap3A_341 = arith.constant 256 : i32
        %swap3A_342 = arith.index_cast %swap3A_341 : i32 to index
        %swap3A_343 = arith.constant 0 : index
        %swap3A_344 = tpu.vector_load %arg8[%swap3A_342, %swap3A_343] {strides = array<i32>} : memref<264x64xf32, #tpu.memory_space<vmem>>, vector<1x16xf32>,
        %swap3A_345 = vector.shape_cast %swap3A_344 : vector<1x16xf32> to vector<16xf32>
        %swap3A_346 = vector.shape_cast %add3A_340 : vector<16xf32> to vector<1x16xf32>
        tpu.vector_store %arg8[%swap3A_342, %swap3A_343], %swap3A_346 {strides = array<i32>} : memref<264x64xf32, #tpu.memory_space<vmem>>, vector<1x16xf32>,
        %add3A_347 = arith.constant 31 : i32
        %add3A_348 = arith.addi %sub3A_219, %add3A_347 : i32
        %get3A_349 = arith.index_cast %add3A_348 : i32 to index
        %get3A_350 = arith.constant 16 : index
        %get3A_351 = tpu.vector_load %arg5[%get3A_349, %get3A_350] {strides = array<i32>} : memref<66x64xf32, #tpu.memory_space<vmem>>, vector<1x16xf32>,
        %get3A_352 = vector.shape_cast %get3A_351 : vector<1x16xf32> to vector<16xf32>
        %add3A_353 = arith.constant 31 : i32
        %add3A_354 = arith.addi %sub3A_217, %add3A_353 : i32
        %get3A_355 = arith.index_cast %add3A_354 : i32 to index
        %get3A_356 = arith.constant 16 : index
        %get3A_357 = tpu.vector_load %arg6[%get3A_355, %get3A_356] {strides = array<i32>} : memref<66x64xf32, #tpu.memory_space<vmem>>, vector<1x16xf32>,
        %get3A_358 = vector.shape_cast %get3A_357 : vector<1x16xf32> to vector<16xf32>
        %add3A_359 = arith.addf %get3A_352, %get3A_358 : vector<16xf32>
        %swap3A_360 = arith.constant 256 : i32
        %swap3A_361 = arith.index_cast %swap3A_360 : i32 to index
        %swap3A_362 = arith.constant 16 : index
        %swap3A_363 = tpu.vector_load %arg8[%swap3A_361, %swap3A_362] {strides = array<i32>} : memref<264x64xf32, #tpu.memory_space<vmem>>, vector<1x16xf32>,
        %swap3A_364 = vector.shape_cast %swap3A_363 : vector<1x16xf32> to vector<16xf32>
        %swap3A_365 = vector.shape_cast %add3A_359 : vector<16xf32> to vector<1x16xf32>
        tpu.vector_store %arg8[%swap3A_361, %swap3A_362], %swap3A_365 {strides = array<i32>} : memref<264x64xf32, #tpu.memory_space<vmem>>, vector<1x16xf32>,
        %add3A_366 = arith.constant 31 : i32
        %add3A_367 = arith.addi %sub3A_219, %add3A_366 : i32
        %get3A_368 = arith.index_cast %add3A_367 : i32 to index
        %get3A_369 = arith.constant 32 : index
        %get3A_370 = tpu.vector_load %arg5[%get3A_368, %get3A_369] {strides = array<i32>} : memref<66x64xf32, #tpu.memory_space<vmem>>, vector<1x16xf32>,
        %get3A_371 = vector.shape_cast %get3A_370 : vector<1x16xf32> to vector<16xf32>
        %add3A_372 = arith.constant 31 : i32
        %add3A_373 = arith.addi %sub3A_217, %add3A_372 : i32
        %get3A_374 = arith.index_cast %add3A_373 : i32 to index
        %get3A_375 = arith.constant 32 : index
        %get3A_376 = tpu.vector_load %arg6[%get3A_374, %get3A_375] {strides = array<i32>} : memref<66x64xf32, #tpu.memory_space<vmem>>, vector<1x16xf32>,
        %get3A_377 = vector.shape_cast %get3A_376 : vector<1x16xf32> to vector<16xf32>
        %add3A_378 = arith.addf %get3A_371, %get3A_377 : vector<16xf32>
        %swap3A_379 = arith.constant 256 : i32
        %swap3A_380 = arith.index_cast %swap3A_379 : i32 to index
        %swap3A_381 = arith.constant 32 : index
        %swap3A_382 = tpu.vector_load %arg8[%swap3A_380, %swap3A_381] {strides = array<i32>} : memref<264x64xf32, #tpu.memory_space<vmem>>, vector<1x16xf32>,
        %swap3A_383 = vector.shape_cast %swap3A_382 : vector<1x16xf32> to vector<16xf32>
        %swap3A_384 = vector.shape_cast %add3A_378 : vector<16xf32> to vector<1x16xf32>
        tpu.vector_store %arg8[%swap3A_380, %swap3A_381], %swap3A_384 {strides = array<i32>} : memref<264x64xf32, #tpu.memory_space<vmem>>, vector<1x16xf32>,
        %add3A_385 = arith.constant 31 : i32
        %add3A_386 = arith.addi %sub3A_219, %add3A_385 : i32
        %get3A_387 = arith.index_cast %add3A_386 : i32 to index
        %get3A_388 = arith.constant 48 : index
        %get3A_389 = tpu.vector_load %arg5[%get3A_387, %get3A_388] {strides = array<i32>} : memref<66x64xf32, #tpu.memory_space<vmem>>, vector<1x16xf32>,
        %get3A_390 = vector.shape_cast %get3A_389 : vector<1x16xf32> to vector<16xf32>
        %add3A_391 = arith.constant 31 : i32
        %add3A_392 = arith.addi %sub3A_217, %add3A_391 : i32
        %get3A_393 = arith.index_cast %add3A_392 : i32 to index
        %get3A_394 = arith.constant 48 : index
        %get3A_395 = tpu.vector_load %arg6[%get3A_393, %get3A_394] {strides = array<i32>} : memref<66x64xf32, #tpu.memory_space<vmem>>, vector<1x16xf32>,
        %get3A_396 = vector.shape_cast %get3A_395 : vector<1x16xf32> to vector<16xf32>
        %add3A_397 = arith.addf %get3A_390, %get3A_396 : vector<16xf32>
        %swap3A_398 = arith.constant 256 : i32
        %swap3A_399 = arith.index_cast %swap3A_398 : i32 to index
        %swap3A_400 = arith.constant 48 : index
        %swap3A_401 = tpu.vector_load %arg8[%swap3A_399, %swap3A_400] {strides = array<i32>} : memref<264x64xf32, #tpu.memory_space<vmem>>, vector<1x16xf32>,
        %swap3A_402 = vector.shape_cast %swap3A_401 : vector<1x16xf32> to vector<16xf32>
        %swap3A_403 = vector.shape_cast %add3A_397 : vector<16xf32> to vector<1x16xf32>
        tpu.vector_store %arg8[%swap3A_399, %swap3A_400], %swap3A_403 {strides = array<i32>} : memref<264x64xf32, #tpu.memory_space<vmem>>, vector<1x16xf32>,
      } else {
      }
      %eq3A_161 = arith.constant 0 : i32
      %eq3A_162 = arith.cmpi eq, %add3A_57, %eq3A_161 : i32
      %convert_element_type3A_163 = arith.extui %eq3A_162 : i1 to i32
      %cond3A_164 = arith.constant 0 : i32
      %cond3A_165 = arith.cmpi ne, %convert_element_type3A_163, %cond3A_164 : i32
      scf.if %cond3A_165 {
        %get3A = arith.constant 0 : i32
        %get3A_195 = arith.index_cast %get3A : i32 to index
        %get3A_196 = arith.constant 0 : index
        %get3A_197 = tpu.vector_load %arg5[%get3A_195, %get3A_196] {strides = array<i32>} : memref<66x64xf32, #tpu.memory_space<vmem>>, vector<1x16xf32>,
        %get3A_198 = vector.shape_cast %get3A_197 : vector<1x16xf32> to vector<16xf32>
        %get3A_199 = arith.constant 0 : i32
        %get3A_200 = arith.index_cast %get3A_199 : i32 to index
        %get3A_201 = arith.constant 0 : index
        %get3A_202 = tpu.vector_load %arg6[%get3A_200, %get3A_201] {strides = array<i32>} : memref<66x64xf32, #tpu.memory_space<vmem>>, vector<1x16xf32>,
        %get3A_203 = vector.shape_cast %get3A_202 : vector<1x16xf32> to vector<16xf32>
        %add3A_204 = arith.addf %get3A_198, %get3A_203 : vector<16xf32>
        %get3A_205 = arith.constant 0 : i32
        %get3A_206 = arith.index_cast %get3A_205 : i32 to index
        %get3A_207 = arith.constant 16 : index
        %get3A_208 = tpu.vector_load %arg5[%get3A_206, %get3A_207] {strides = array<i32>} : memref<66x64xf32, #tpu.memory_space<vmem>>, vector<1x16xf32>,
        %get3A_209 = vector.shape_cast %get3A_208 : vector<1x16xf32> to vector<16xf32>
        %get3A_210 = arith.constant 0 : i32
        %get3A_211 = arith.index_cast %get3A_210 : i32 to index
        %get3A_212 = arith.constant 16 : index
        %get3A_213 = tpu.vector_load %arg6[%get3A_211, %get3A_212] {strides = array<i32>} : memref<66x64xf32, #tpu.memory_space<vmem>>, vector<1x16xf32>,
        %get3A_214 = vector.shape_cast %get3A_213 : vector<1x16xf32> to vector<16xf32>
        %add3A_215 = arith.addf %get3A_209, %get3A_214 : vector<16xf32>
        %get3A_216 = arith.constant 0 : i32
        %get3A_217 = arith.index_cast %get3A_216 : i32 to index
        %get3A_218 = arith.constant 32 : index
        %get3A_219 = tpu.vector_load %arg5[%get3A_217, %get3A_218] {strides = array<i32>} : memref<66x64xf32, #tpu.memory_space<vmem>>, vector<1x16xf32>,
        %get3A_220 = vector.shape_cast %get3A_219 : vector<1x16xf32> to vector<16xf32>
        %get3A_221 = arith.constant 0 : i32
        %get3A_222 = arith.index_cast %get3A_221 : i32 to index
        %get3A_223 = arith.constant 32 : index
        %get3A_224 = tpu.vector_load %arg6[%get3A_222, %get3A_223] {strides = array<i32>} : memref<66x64xf32, #tpu.memory_space<vmem>>, vector<1x16xf32>,
        %get3A_225 = vector.shape_cast %get3A_224 : vector<1x16xf32> to vector<16xf32>
        %add3A_226 = arith.addf %get3A_220, %get3A_225 : vector<16xf32>
        %get3A_227 = arith.constant 0 : i32
        %get3A_228 = arith.index_cast %get3A_227 : i32 to index
        %get3A_229 = arith.constant 48 : index
        %get3A_230 = tpu.vector_load %arg5[%get3A_228, %get3A_229] {strides = array<i32>} : memref<66x64xf32, #tpu.memory_space<vmem>>, vector<1x16xf32>,
        %get3A_231 = vector.shape_cast %get3A_230 : vector<1x16xf32> to vector<16xf32>
        %get3A_232 = arith.constant 0 : i32
        %get3A_233 = arith.index_cast %get3A_232 : i32 to index
        %get3A_234 = arith.constant 48 : index
        %get3A_235 = tpu.vector_load %arg6[%get3A_233, %get3A_234] {strides = array<i32>} : memref<66x64xf32, #tpu.memory_space<vmem>>, vector<1x16xf32>,
        %get3A_236 = vector.shape_cast %get3A_235 : vector<1x16xf32> to vector<16xf32>
        %add3A_237 = arith.addf %get3A_231, %get3A_236 : vector<16xf32>
        %scan3A_238 = arith.constant 0 : i32
        %scan3A_239 = arith.constant 0 : i32
        %scan3A_240 = arith.constant 257 : i32
        %scan3A_241 = arith.addi %scan3A_239, %scan3A_240 : i32
        %scan3A_242 = arith.constant 1 : i32
        %scan3A_243 = scf.for %scan3A_245 = %scan3A_239 to %scan3A_241 step %scan3A_242 iter_args(%scan3A_246 = %scan3A_238) -> (i32)  : i32 {
          %swap3A = arith.index_cast %scan3A_245 : i32 to index
          %swap3A_247 = arith.constant 0 : index
          %swap3A_248 = tpu.vector_load %arg8[%swap3A, %swap3A_247] {strides = array<i32>} : memref<264x64xf32, #tpu.memory_space<vmem>>, vector<1x16xf32>,
          %swap3A_249 = vector.shape_cast %swap3A_248 : vector<1x16xf32> to vector<16xf32>
          %swap3A_250 = vector.shape_cast %add3A_204 : vector<16xf32> to vector<1x16xf32>
          tpu.vector_store %arg8[%swap3A, %swap3A_247], %swap3A_250 {strides = array<i32>} : memref<264x64xf32, #tpu.memory_space<vmem>>, vector<1x16xf32>,
          %swap3A_251 = arith.index_cast %scan3A_245 : i32 to index
          %swap3A_252 = arith.constant 16 : index
          %swap3A_253 = tpu.vector_load %arg8[%swap3A_251, %swap3A_252] {strides = array<i32>} : memref<264x64xf32, #tpu.memory_space<vmem>>, vector<1x16xf32>,
          %swap3A_254 = vector.shape_cast %swap3A_253 : vector<1x16xf32> to vector<16xf32>
          %swap3A_255 = vector.shape_cast %add3A_215 : vector<16xf32> to vector<1x16xf32>
          tpu.vector_store %arg8[%swap3A_251, %swap3A_252], %swap3A_255 {strides = array<i32>} : memref<264x64xf32, #tpu.memory_space<vmem>>, vector<1x16xf32>,
          %swap3A_256 = arith.index_cast %scan3A_245 : i32 to index
          %swap3A_257 = arith.constant 32 : index
          %swap3A_258 = tpu.vector_load %arg8[%swap3A_256, %swap3A_257] {strides = array<i32>} : memref<264x64xf32, #tpu.memory_space<vmem>>, vector<1x16xf32>,
          %swap3A_259 = vector.shape_cast %swap3A_258 : vector<1x16xf32> to vector<16xf32>
          %swap3A_260 = vector.shape_cast %add3A_226 : vector<16xf32> to vector<1x16xf32>
          tpu.vector_store %arg8[%swap3A_256, %swap3A_257], %swap3A_260 {strides = array<i32>} : memref<264x64xf32, #tpu.memory_space<vmem>>, vector<1x16xf32>,
          %swap3A_261 = arith.index_cast %scan3A_245 : i32 to index
          %swap3A_262 = arith.constant 48 : index
          %swap3A_263 = tpu.vector_load %arg8[%swap3A_261, %swap3A_262] {strides = array<i32>} : memref<264x64xf32, #tpu.memory_space<vmem>>, vector<1x16xf32>,
          %swap3A_264 = vector.shape_cast %swap3A_263 : vector<1x16xf32> to vector<16xf32>
          %swap3A_265 = vector.shape_cast %add3A_237 : vector<16xf32> to vector<1x16xf32>
          tpu.vector_store %arg8[%swap3A_261, %swap3A_262], %swap3A_265 {strides = array<i32>} : memref<264x64xf32, #tpu.memory_space<vmem>>, vector<1x16xf32>,
          %scan3A_266 = arith.constant 0 : i32
          scf.yield %scan3A_266 : i32
        }
        %scan3A_244 = arith.constant 257 : i32
      } else {
      }
      %dma_start3A_166 = arith.constant 0 : i32
      %dma_start3A_167 = arith.constant 0 : i32
      %dma_start3A_168 = tpu.memref_slice %arg8[%dma_start3A_166, %dma_start3A_167] : memref<264x64xf32, #tpu.memory_space<vmem>> -> memref<256x64xf32, #tpu.memory_space<vmem>>
      %dma_start3A_169 = arith.constant 768 : i32
      %dma_start3A_170 = arith.constant 0 : i32
      %dma_start3A_171 = tpu.memref_slice %arg4[%add3A_57, %dma_start3A_169, %dma_start3A_170] : memref<1025x1025x64xf32, #tpu.memory_space<hbm>> -> memref<1x256x64xf32, #tpu.memory_space<hbm>>
      %dma_start3A_172 = tpu.memref_squeeze %dma_start3A_171 : memref<1x256x64xf32, #tpu.memory_space<hbm>> -> memref<256x64xf32, #tpu.memory_space<hbm>>
      %dma_start3A_173 = arith.constant 768 : i32
      %dma_start3A_174 = arith.constant 0 : i32
      %dma_start3A_175 = tpu.memref_slice %arg4[%add3A_57, %dma_start3A_173, %dma_start3A_174] : memref<1025x1025x64xf32, #tpu.memory_space<hbm>> -> memref<1x256x64xf32, #tpu.memory_space<hbm>>
      %dma_start3A_176 = tpu.memref_squeeze %dma_start3A_175 : memref<1x256x64xf32, #tpu.memory_space<hbm>> -> memref<256x64xf32, #tpu.memory_space<hbm>>
      %dma_start3A_177 = arith.constant 0 : i32
      %dma_start3A_178 = arith.constant 0 : i32
      %dma_start3A_179 = tpu.memref_slice %arg8[%dma_start3A_177, %dma_start3A_178] : memref<264x64xf32, #tpu.memory_space<vmem>> -> memref<256x64xf32, #tpu.memory_space<vmem>>
      tpu.enqueue_dma source(%dma_start3A_179 : memref<256x64xf32, #tpu.memory_space<vmem>>) target(%dma_start3A_176 : memref<256x64xf32, #tpu.memory_space<hbm>>) target_semaphore(%arg10 : memref<!tpu.dma_semaphore, #tpu.memory_space<semaphore_mem>>)
      %dma_start3A_180 = arith.constant 256 : i32
      %dma_start3A_181 = arith.constant 0 : i32
      %dma_start3A_182 = tpu.memref_slice %arg8[%dma_start3A_180, %dma_start3A_181] : memref<264x64xf32, #tpu.memory_space<vmem>> -> memref<1x64xf32, #tpu.memory_space<vmem>>
      %dma_start3A_183 = arith.constant 1024 : i32
      %dma_start3A_184 = arith.constant 0 : i32
      %dma_start3A_185 = tpu.memref_slice %arg4[%add3A_57, %dma_start3A_183, %dma_start3A_184] : memref<1025x1025x64xf32, #tpu.memory_space<hbm>> -> memref<1x1x64xf32, #tpu.memory_space<hbm>>
      %dma_start3A_186 = tpu.memref_squeeze %dma_start3A_185 : memref<1x1x64xf32, #tpu.memory_space<hbm>> -> memref<1x64xf32, #tpu.memory_space<hbm>>
      %dma_start3A_187 = arith.constant 1024 : i32
      %dma_start3A_188 = arith.constant 0 : i32
      %dma_start3A_189 = tpu.memref_slice %arg4[%add3A_57, %dma_start3A_187, %dma_start3A_188] : memref<1025x1025x64xf32, #tpu.memory_space<hbm>> -> memref<1x1x64xf32, #tpu.memory_space<hbm>>
      %dma_start3A_190 = tpu.memref_squeeze %dma_start3A_189 : memref<1x1x64xf32, #tpu.memory_space<hbm>> -> memref<1x64xf32, #tpu.memory_space<hbm>>
      %dma_start3A_191 = arith.constant 256 : i32
      %dma_start3A_192 = arith.constant 0 : i32
      %dma_start3A_193 = tpu.memref_slice %arg8[%dma_start3A_191, %dma_start3A_192] : memref<264x64xf32, #tpu.memory_space<vmem>> -> memref<1x64xf32, #tpu.memory_space<vmem>>
      tpu.enqueue_dma source(%dma_start3A_193 : memref<1x64xf32, #tpu.memory_space<vmem>>) target(%dma_start3A_190 : memref<1x64xf32, #tpu.memory_space<hbm>>) target_semaphore(%arg10 : memref<!tpu.dma_semaphore, #tpu.memory_space<semaphore_mem>>)
      %scan3A_194 = arith.constant 0 : i32
      scf.yield %scan3A_194 : i32
    }
    %scan3A_6 = arith.constant 32 : i32
    %eq3A = arith.constant 0 : i32
    %eq3A_7 = arith.cmpi eq, %add3A, %eq3A : i32
    %convert_element_type3A = arith.extui %eq3A_7 : i1 to i32
    %cond3A = arith.constant 0 : i32
    %cond3A_8 = arith.cmpi ne, %convert_element_type3A, %cond3A : i32
    scf.if %cond3A_8 {
      %not3A = arith.constant false
      %not3A_53 = arith.constant true
      %not3A_54 = arith.xori %not3A, %not3A_53 : i1
      %or3A = arith.constant false
      %or3A_55 = arith.ori %not3A_54, %or3A : i1
      %convert_element_type3A_56 = arith.extui %or3A_55 : i1 to i32
      %cond3A_57 = arith.constant 0 : i32
      %cond3A_58 = arith.cmpi ne, %convert_element_type3A_56, %cond3A_57 : i32
      scf.if %cond3A_58 {
        %dma_wait3A_157 = arith.constant 0 : i32
        %dma_wait3A_158 = arith.constant 0 : i32
        %dma_wait3A_159 = arith.constant 0 : i32
        %dma_wait3A_160 = tpu.memref_slice %arg7[%dma_wait3A_158, %dma_wait3A_159] : memref<264x64xf32, #tpu.memory_space<vmem>> -> memref<256x64xf32, #tpu.memory_space<vmem>>
        %dma_wait3A_161 = arith.constant 0 : i32
        %dma_wait3A_162 = arith.constant 0 : i32
        %dma_wait3A_163 = tpu.memref_slice %arg4[%dma_wait3A_157, %dma_wait3A_161, %dma_wait3A_162] : memref<1025x1025x64xf32, #tpu.memory_space<hbm>> -> memref<1x256x64xf32, #tpu.memory_space<hbm>>
        %dma_wait3A_164 = tpu.memref_squeeze %dma_wait3A_163 : memref<1x256x64xf32, #tpu.memory_space<hbm>> -> memref<256x64xf32, #tpu.memory_space<hbm>>
        %dma_wait3A_165 = arith.constant 0 : i32
        %dma_wait3A_166 = arith.constant 0 : i32
        %dma_wait3A_167 = tpu.memref_slice %arg4[%dma_wait3A_157, %dma_wait3A_165, %dma_wait3A_166] : memref<1025x1025x64xf32, #tpu.memory_space<hbm>> -> memref<1x256x64xf32, #tpu.memory_space<hbm>>
        %dma_wait3A_168 = tpu.memref_squeeze %dma_wait3A_167 : memref<1x256x64xf32, #tpu.memory_space<hbm>> -> memref<256x64xf32, #tpu.memory_space<hbm>>
        %dma_wait3A_169 = arith.constant 0 : i32
        %dma_wait3A_170 = arith.constant 0 : i32
        %dma_wait3A_171 = tpu.memref_slice %arg7[%dma_wait3A_169, %dma_wait3A_170] : memref<264x64xf32, #tpu.memory_space<vmem>> -> memref<256x64xf32, #tpu.memory_space<vmem>>
        tpu.wait_dma2 semaphore(%arg9 : memref<!tpu.dma_semaphore, #tpu.memory_space<semaphore_mem>>) src(%dma_wait3A_171 : memref<256x64xf32, #tpu.memory_space<vmem>>) dst(%dma_wait3A_168 : memref<256x64xf32, #tpu.memory_space<hbm>>)
      } else {
      }
      %dma_start3A = arith.constant 1024 : i32
      %dma_start3A_59 = arith.constant 0 : i32
      %dma_start3A_60 = arith.constant 0 : i32
      %dma_start3A_61 = tpu.memref_slice %arg7[%dma_start3A_59, %dma_start3A_60] : memref<264x64xf32, #tpu.memory_space<vmem>> -> memref<256x64xf32, #tpu.memory_space<vmem>>
      %dma_start3A_62 = arith.constant 0 : i32
      %dma_start3A_63 = arith.constant 0 : i32
      %dma_start3A_64 = tpu.memref_slice %arg4[%dma_start3A, %dma_start3A_62, %dma_start3A_63] : memref<1025x1025x64xf32, #tpu.memory_space<hbm>> -> memref<1x256x64xf32, #tpu.memory_space<hbm>>
      %dma_start3A_65 = tpu.memref_squeeze %dma_start3A_64 : memref<1x256x64xf32, #tpu.memory_space<hbm>> -> memref<256x64xf32, #tpu.memory_space<hbm>>
      %dma_start3A_66 = arith.constant 0 : i32
      %dma_start3A_67 = arith.constant 0 : i32
      %dma_start3A_68 = tpu.memref_slice %arg4[%dma_start3A, %dma_start3A_66, %dma_start3A_67] : memref<1025x1025x64xf32, #tpu.memory_space<hbm>> -> memref<1x256x64xf32, #tpu.memory_space<hbm>>
      %dma_start3A_69 = tpu.memref_squeeze %dma_start3A_68 : memref<1x256x64xf32, #tpu.memory_space<hbm>> -> memref<256x64xf32, #tpu.memory_space<hbm>>
      %dma_start3A_70 = arith.constant 0 : i32
      %dma_start3A_71 = arith.constant 0 : i32
      %dma_start3A_72 = tpu.memref_slice %arg7[%dma_start3A_70, %dma_start3A_71] : memref<264x64xf32, #tpu.memory_space<vmem>> -> memref<256x64xf32, #tpu.memory_space<vmem>>
      tpu.enqueue_dma source(%dma_start3A_72 : memref<256x64xf32, #tpu.memory_space<vmem>>) target(%dma_start3A_69 : memref<256x64xf32, #tpu.memory_space<hbm>>) target_semaphore(%arg9 : memref<!tpu.dma_semaphore, #tpu.memory_space<semaphore_mem>>)
      %not3A_73 = arith.constant false
      %not3A_74 = arith.constant true
      %not3A_75 = arith.xori %not3A_73, %not3A_74 : i1
      %or3A_76 = arith.constant false
      %or3A_77 = arith.ori %not3A_75, %or3A_76 : i1
      %convert_element_type3A_78 = arith.extui %or3A_77 : i1 to i32
      %cond3A_79 = arith.constant 0 : i32
      %cond3A_80 = arith.cmpi ne, %convert_element_type3A_78, %cond3A_79 : i32
      scf.if %cond3A_80 {
        %dma_wait3A_157 = arith.constant 0 : i32
        %dma_wait3A_158 = arith.constant 0 : i32
        %dma_wait3A_159 = arith.constant 0 : i32
        %dma_wait3A_160 = tpu.memref_slice %arg8[%dma_wait3A_158, %dma_wait3A_159] : memref<264x64xf32, #tpu.memory_space<vmem>> -> memref<256x64xf32, #tpu.memory_space<vmem>>
        %dma_wait3A_161 = arith.constant 0 : i32
        %dma_wait3A_162 = arith.constant 0 : i32
        %dma_wait3A_163 = tpu.memref_slice %arg4[%dma_wait3A_157, %dma_wait3A_161, %dma_wait3A_162] : memref<1025x1025x64xf32, #tpu.memory_space<hbm>> -> memref<1x256x64xf32, #tpu.memory_space<hbm>>
        %dma_wait3A_164 = tpu.memref_squeeze %dma_wait3A_163 : memref<1x256x64xf32, #tpu.memory_space<hbm>> -> memref<256x64xf32, #tpu.memory_space<hbm>>
        %dma_wait3A_165 = arith.constant 0 : i32
        %dma_wait3A_166 = arith.constant 0 : i32
        %dma_wait3A_167 = tpu.memref_slice %arg4[%dma_wait3A_157, %dma_wait3A_165, %dma_wait3A_166] : memref<1025x1025x64xf32, #tpu.memory_space<hbm>> -> memref<1x256x64xf32, #tpu.memory_space<hbm>>
        %dma_wait3A_168 = tpu.memref_squeeze %dma_wait3A_167 : memref<1x256x64xf32, #tpu.memory_space<hbm>> -> memref<256x64xf32, #tpu.memory_space<hbm>>
        %dma_wait3A_169 = arith.constant 0 : i32
        %dma_wait3A_170 = arith.constant 0 : i32
        %dma_wait3A_171 = tpu.memref_slice %arg8[%dma_wait3A_169, %dma_wait3A_170] : memref<264x64xf32, #tpu.memory_space<vmem>> -> memref<256x64xf32, #tpu.memory_space<vmem>>
        tpu.wait_dma2 semaphore(%arg10 : memref<!tpu.dma_semaphore, #tpu.memory_space<semaphore_mem>>) src(%dma_wait3A_171 : memref<256x64xf32, #tpu.memory_space<vmem>>) dst(%dma_wait3A_168 : memref<256x64xf32, #tpu.memory_space<hbm>>)
        %dma_wait3A_172 = arith.constant 0 : i32
        %dma_wait3A_173 = arith.constant 256 : i32
        %dma_wait3A_174 = arith.constant 0 : i32
        %dma_wait3A_175 = tpu.memref_slice %arg8[%dma_wait3A_173, %dma_wait3A_174] : memref<264x64xf32, #tpu.memory_space<vmem>> -> memref<1x64xf32, #tpu.memory_space<vmem>>
        %dma_wait3A_176 = arith.constant 1024 : i32
        %dma_wait3A_177 = arith.constant 0 : i32
        %dma_wait3A_178 = tpu.memref_slice %arg4[%dma_wait3A_172, %dma_wait3A_176, %dma_wait3A_177] : memref<1025x1025x64xf32, #tpu.memory_space<hbm>> -> memref<1x1x64xf32, #tpu.memory_space<hbm>>
        %dma_wait3A_179 = tpu.memref_squeeze %dma_wait3A_178 : memref<1x1x64xf32, #tpu.memory_space<hbm>> -> memref<1x64xf32, #tpu.memory_space<hbm>>
        %dma_wait3A_180 = arith.constant 1024 : i32
        %dma_wait3A_181 = arith.constant 0 : i32
        %dma_wait3A_182 = tpu.memref_slice %arg4[%dma_wait3A_172, %dma_wait3A_180, %dma_wait3A_181] : memref<1025x1025x64xf32, #tpu.memory_space<hbm>> -> memref<1x1x64xf32, #tpu.memory_space<hbm>>
        %dma_wait3A_183 = tpu.memref_squeeze %dma_wait3A_182 : memref<1x1x64xf32, #tpu.memory_space<hbm>> -> memref<1x64xf32, #tpu.memory_space<hbm>>
        %dma_wait3A_184 = arith.constant 256 : i32
        %dma_wait3A_185 = arith.constant 0 : i32
        %dma_wait3A_186 = tpu.memref_slice %arg8[%dma_wait3A_184, %dma_wait3A_185] : memref<264x64xf32, #tpu.memory_space<vmem>> -> memref<1x64xf32, #tpu.memory_space<vmem>>
        tpu.wait_dma2 semaphore(%arg10 : memref<!tpu.dma_semaphore, #tpu.memory_space<semaphore_mem>>) src(%dma_wait3A_186 : memref<1x64xf32, #tpu.memory_space<vmem>>) dst(%dma_wait3A_183 : memref<1x64xf32, #tpu.memory_space<hbm>>)
      } else {
      }
      %dma_start3A_81 = arith.constant 1024 : i32
      %dma_start3A_82 = arith.constant 0 : i32
      %dma_start3A_83 = arith.constant 0 : i32
      %dma_start3A_84 = tpu.memref_slice %arg8[%dma_start3A_82, %dma_start3A_83] : memref<264x64xf32, #tpu.memory_space<vmem>> -> memref<256x64xf32, #tpu.memory_space<vmem>>
      %dma_start3A_85 = arith.constant 256 : i32
      %dma_start3A_86 = arith.constant 0 : i32
      %dma_start3A_87 = tpu.memref_slice %arg4[%dma_start3A_81, %dma_start3A_85, %dma_start3A_86] : memref<1025x1025x64xf32, #tpu.memory_space<hbm>> -> memref<1x256x64xf32, #tpu.memory_space<hbm>>
      %dma_start3A_88 = tpu.memref_squeeze %dma_start3A_87 : memref<1x256x64xf32, #tpu.memory_space<hbm>> -> memref<256x64xf32, #tpu.memory_space<hbm>>
      %dma_start3A_89 = arith.constant 256 : i32
      %dma_start3A_90 = arith.constant 0 : i32
      %dma_start3A_91 = tpu.memref_slice %arg4[%dma_start3A_81, %dma_start3A_89, %dma_start3A_90] : memref<1025x1025x64xf32, #tpu.memory_space<hbm>> -> memref<1x256x64xf32, #tpu.memory_space<hbm>>
      %dma_start3A_92 = tpu.memref_squeeze %dma_start3A_91 : memref<1x256x64xf32, #tpu.memory_space<hbm>> -> memref<256x64xf32, #tpu.memory_space<hbm>>
      %dma_start3A_93 = arith.constant 0 : i32
      %dma_start3A_94 = arith.constant 0 : i32
      %dma_start3A_95 = tpu.memref_slice %arg8[%dma_start3A_93, %dma_start3A_94] : memref<264x64xf32, #tpu.memory_space<vmem>> -> memref<256x64xf32, #tpu.memory_space<vmem>>
      tpu.enqueue_dma source(%dma_start3A_95 : memref<256x64xf32, #tpu.memory_space<vmem>>) target(%dma_start3A_92 : memref<256x64xf32, #tpu.memory_space<hbm>>) target_semaphore(%arg10 : memref<!tpu.dma_semaphore, #tpu.memory_space<semaphore_mem>>)
      %not3A_96 = arith.constant false
      %not3A_97 = arith.constant true
      %not3A_98 = arith.xori %not3A_96, %not3A_97 : i1
      %or3A_99 = arith.constant true
      %or3A_100 = arith.ori %not3A_98, %or3A_99 : i1
      %convert_element_type3A_101 = arith.extui %or3A_100 : i1 to i32
      %cond3A_102 = arith.constant 0 : i32
      %cond3A_103 = arith.cmpi ne, %convert_element_type3A_101, %cond3A_102 : i32
      scf.if %cond3A_103 {
        %dma_wait3A_157 = arith.constant 0 : i32
        %dma_wait3A_158 = arith.constant 0 : i32
        %dma_wait3A_159 = arith.constant 0 : i32
        %dma_wait3A_160 = tpu.memref_slice %arg7[%dma_wait3A_158, %dma_wait3A_159] : memref<264x64xf32, #tpu.memory_space<vmem>> -> memref<256x64xf32, #tpu.memory_space<vmem>>
        %dma_wait3A_161 = arith.constant 0 : i32
        %dma_wait3A_162 = arith.constant 0 : i32
        %dma_wait3A_163 = tpu.memref_slice %arg4[%dma_wait3A_157, %dma_wait3A_161, %dma_wait3A_162] : memref<1025x1025x64xf32, #tpu.memory_space<hbm>> -> memref<1x256x64xf32, #tpu.memory_space<hbm>>
        %dma_wait3A_164 = tpu.memref_squeeze %dma_wait3A_163 : memref<1x256x64xf32, #tpu.memory_space<hbm>> -> memref<256x64xf32, #tpu.memory_space<hbm>>
        %dma_wait3A_165 = arith.constant 0 : i32
        %dma_wait3A_166 = arith.constant 0 : i32
        %dma_wait3A_167 = tpu.memref_slice %arg4[%dma_wait3A_157, %dma_wait3A_165, %dma_wait3A_166] : memref<1025x1025x64xf32, #tpu.memory_space<hbm>> -> memref<1x256x64xf32, #tpu.memory_space<hbm>>
        %dma_wait3A_168 = tpu.memref_squeeze %dma_wait3A_167 : memref<1x256x64xf32, #tpu.memory_space<hbm>> -> memref<256x64xf32, #tpu.memory_space<hbm>>
        %dma_wait3A_169 = arith.constant 0 : i32
        %dma_wait3A_170 = arith.constant 0 : i32
        %dma_wait3A_171 = tpu.memref_slice %arg7[%dma_wait3A_169, %dma_wait3A_170] : memref<264x64xf32, #tpu.memory_space<vmem>> -> memref<256x64xf32, #tpu.memory_space<vmem>>
        tpu.wait_dma2 semaphore(%arg9 : memref<!tpu.dma_semaphore, #tpu.memory_space<semaphore_mem>>) src(%dma_wait3A_171 : memref<256x64xf32, #tpu.memory_space<vmem>>) dst(%dma_wait3A_168 : memref<256x64xf32, #tpu.memory_space<hbm>>)
      } else {
      }
      %dma_start3A_104 = arith.constant 1024 : i32
      %dma_start3A_105 = arith.constant 0 : i32
      %dma_start3A_106 = arith.constant 0 : i32
      %dma_start3A_107 = tpu.memref_slice %arg7[%dma_start3A_105, %dma_start3A_106] : memref<264x64xf32, #tpu.memory_space<vmem>> -> memref<256x64xf32, #tpu.memory_space<vmem>>
      %dma_start3A_108 = arith.constant 512 : i32
      %dma_start3A_109 = arith.constant 0 : i32
      %dma_start3A_110 = tpu.memref_slice %arg4[%dma_start3A_104, %dma_start3A_108, %dma_start3A_109] : memref<1025x1025x64xf32, #tpu.memory_space<hbm>> -> memref<1x256x64xf32, #tpu.memory_space<hbm>>
      %dma_start3A_111 = tpu.memref_squeeze %dma_start3A_110 : memref<1x256x64xf32, #tpu.memory_space<hbm>> -> memref<256x64xf32, #tpu.memory_space<hbm>>
      %dma_start3A_112 = arith.constant 512 : i32
      %dma_start3A_113 = arith.constant 0 : i32
      %dma_start3A_114 = tpu.memref_slice %arg4[%dma_start3A_104, %dma_start3A_112, %dma_start3A_113] : memref<1025x1025x64xf32, #tpu.memory_space<hbm>> -> memref<1x256x64xf32, #tpu.memory_space<hbm>>
      %dma_start3A_115 = tpu.memref_squeeze %dma_start3A_114 : memref<1x256x64xf32, #tpu.memory_space<hbm>> -> memref<256x64xf32, #tpu.memory_space<hbm>>
      %dma_start3A_116 = arith.constant 0 : i32
      %dma_start3A_117 = arith.constant 0 : i32
      %dma_start3A_118 = tpu.memref_slice %arg7[%dma_start3A_116, %dma_start3A_117] : memref<264x64xf32, #tpu.memory_space<vmem>> -> memref<256x64xf32, #tpu.memory_space<vmem>>
      tpu.enqueue_dma source(%dma_start3A_118 : memref<256x64xf32, #tpu.memory_space<vmem>>) target(%dma_start3A_115 : memref<256x64xf32, #tpu.memory_space<hbm>>) target_semaphore(%arg9 : memref<!tpu.dma_semaphore, #tpu.memory_space<semaphore_mem>>)
      %not3A_119 = arith.constant false
      %not3A_120 = arith.constant true
      %not3A_121 = arith.xori %not3A_119, %not3A_120 : i1
      %or3A_122 = arith.constant true
      %or3A_123 = arith.ori %not3A_121, %or3A_122 : i1
      %convert_element_type3A_124 = arith.extui %or3A_123 : i1 to i32
      %cond3A_125 = arith.constant 0 : i32
      %cond3A_126 = arith.cmpi ne, %convert_element_type3A_124, %cond3A_125 : i32
      scf.if %cond3A_126 {
        %dma_wait3A_157 = arith.constant 0 : i32
        %dma_wait3A_158 = arith.constant 0 : i32
        %dma_wait3A_159 = arith.constant 0 : i32
        %dma_wait3A_160 = tpu.memref_slice %arg8[%dma_wait3A_158, %dma_wait3A_159] : memref<264x64xf32, #tpu.memory_space<vmem>> -> memref<256x64xf32, #tpu.memory_space<vmem>>
        %dma_wait3A_161 = arith.constant 0 : i32
        %dma_wait3A_162 = arith.constant 0 : i32
        %dma_wait3A_163 = tpu.memref_slice %arg4[%dma_wait3A_157, %dma_wait3A_161, %dma_wait3A_162] : memref<1025x1025x64xf32, #tpu.memory_space<hbm>> -> memref<1x256x64xf32, #tpu.memory_space<hbm>>
        %dma_wait3A_164 = tpu.memref_squeeze %dma_wait3A_163 : memref<1x256x64xf32, #tpu.memory_space<hbm>> -> memref<256x64xf32, #tpu.memory_space<hbm>>
        %dma_wait3A_165 = arith.constant 0 : i32
        %dma_wait3A_166 = arith.constant 0 : i32
        %dma_wait3A_167 = tpu.memref_slice %arg4[%dma_wait3A_157, %dma_wait3A_165, %dma_wait3A_166] : memref<1025x1025x64xf32, #tpu.memory_space<hbm>> -> memref<1x256x64xf32, #tpu.memory_space<hbm>>
        %dma_wait3A_168 = tpu.memref_squeeze %dma_wait3A_167 : memref<1x256x64xf32, #tpu.memory_space<hbm>> -> memref<256x64xf32, #tpu.memory_space<hbm>>
        %dma_wait3A_169 = arith.constant 0 : i32
        %dma_wait3A_170 = arith.constant 0 : i32
        %dma_wait3A_171 = tpu.memref_slice %arg8[%dma_wait3A_169, %dma_wait3A_170] : memref<264x64xf32, #tpu.memory_space<vmem>> -> memref<256x64xf32, #tpu.memory_space<vmem>>
        tpu.wait_dma2 semaphore(%arg10 : memref<!tpu.dma_semaphore, #tpu.memory_space<semaphore_mem>>) src(%dma_wait3A_171 : memref<256x64xf32, #tpu.memory_space<vmem>>) dst(%dma_wait3A_168 : memref<256x64xf32, #tpu.memory_space<hbm>>)
      } else {
      }
      %dma_start3A_127 = arith.constant 1024 : i32
      %dma_start3A_128 = arith.constant 0 : i32
      %dma_start3A_129 = arith.constant 0 : i32
      %dma_start3A_130 = tpu.memref_slice %arg8[%dma_start3A_128, %dma_start3A_129] : memref<264x64xf32, #tpu.memory_space<vmem>> -> memref<256x64xf32, #tpu.memory_space<vmem>>
      %dma_start3A_131 = arith.constant 768 : i32
      %dma_start3A_132 = arith.constant 0 : i32
      %dma_start3A_133 = tpu.memref_slice %arg4[%dma_start3A_127, %dma_start3A_131, %dma_start3A_132] : memref<1025x1025x64xf32, #tpu.memory_space<hbm>> -> memref<1x256x64xf32, #tpu.memory_space<hbm>>
      %dma_start3A_134 = tpu.memref_squeeze %dma_start3A_133 : memref<1x256x64xf32, #tpu.memory_space<hbm>> -> memref<256x64xf32, #tpu.memory_space<hbm>>
      %dma_start3A_135 = arith.constant 768 : i32
      %dma_start3A_136 = arith.constant 0 : i32
      %dma_start3A_137 = tpu.memref_slice %arg4[%dma_start3A_127, %dma_start3A_135, %dma_start3A_136] : memref<1025x1025x64xf32, #tpu.memory_space<hbm>> -> memref<1x256x64xf32, #tpu.memory_space<hbm>>
      %dma_start3A_138 = tpu.memref_squeeze %dma_start3A_137 : memref<1x256x64xf32, #tpu.memory_space<hbm>> -> memref<256x64xf32, #tpu.memory_space<hbm>>
      %dma_start3A_139 = arith.constant 0 : i32
      %dma_start3A_140 = arith.constant 0 : i32
      %dma_start3A_141 = tpu.memref_slice %arg8[%dma_start3A_139, %dma_start3A_140] : memref<264x64xf32, #tpu.memory_space<vmem>> -> memref<256x64xf32, #tpu.memory_space<vmem>>
      tpu.enqueue_dma source(%dma_start3A_141 : memref<256x64xf32, #tpu.memory_space<vmem>>) target(%dma_start3A_138 : memref<256x64xf32, #tpu.memory_space<hbm>>) target_semaphore(%arg10 : memref<!tpu.dma_semaphore, #tpu.memory_space<semaphore_mem>>)
      %dma_start3A_142 = arith.constant 1024 : i32
      %dma_start3A_143 = arith.constant 256 : i32
      %dma_start3A_144 = arith.constant 0 : i32
      %dma_start3A_145 = tpu.memref_slice %arg8[%dma_start3A_143, %dma_start3A_144] : memref<264x64xf32, #tpu.memory_space<vmem>> -> memref<1x64xf32, #tpu.memory_space<vmem>>
      %dma_start3A_146 = arith.constant 1024 : i32
      %dma_start3A_147 = arith.constant 0 : i32
      %dma_start3A_148 = tpu.memref_slice %arg4[%dma_start3A_142, %dma_start3A_146, %dma_start3A_147] : memref<1025x1025x64xf32, #tpu.memory_space<hbm>> -> memref<1x1x64xf32, #tpu.memory_space<hbm>>
      %dma_start3A_149 = tpu.memref_squeeze %dma_start3A_148 : memref<1x1x64xf32, #tpu.memory_space<hbm>> -> memref<1x64xf32, #tpu.memory_space<hbm>>
      %dma_start3A_150 = arith.constant 1024 : i32
      %dma_start3A_151 = arith.constant 0 : i32
      %dma_start3A_152 = tpu.memref_slice %arg4[%dma_start3A_142, %dma_start3A_150, %dma_start3A_151] : memref<1025x1025x64xf32, #tpu.memory_space<hbm>> -> memref<1x1x64xf32, #tpu.memory_space<hbm>>
      %dma_start3A_153 = tpu.memref_squeeze %dma_start3A_152 : memref<1x1x64xf32, #tpu.memory_space<hbm>> -> memref<1x64xf32, #tpu.memory_space<hbm>>
      %dma_start3A_154 = arith.constant 256 : i32
      %dma_start3A_155 = arith.constant 0 : i32
      %dma_start3A_156 = tpu.memref_slice %arg8[%dma_start3A_154, %dma_start3A_155] : memref<264x64xf32, #tpu.memory_space<vmem>> -> memref<1x64xf32, #tpu.memory_space<vmem>>
      tpu.enqueue_dma source(%dma_start3A_156 : memref<1x64xf32, #tpu.memory_space<vmem>>) target(%dma_start3A_153 : memref<1x64xf32, #tpu.memory_space<hbm>>) target_semaphore(%arg10 : memref<!tpu.dma_semaphore, #tpu.memory_space<semaphore_mem>>)
    } else {
    }
    %dma_wait3A = arith.constant 0 : i32
    %dma_wait3A_9 = arith.constant 0 : i32
    %dma_wait3A_10 = arith.constant 0 : i32
    %dma_wait3A_11 = tpu.memref_slice %arg7[%dma_wait3A_9, %dma_wait3A_10] : memref<264x64xf32, #tpu.memory_space<vmem>> -> memref<256x64xf32, #tpu.memory_space<vmem>>
    %dma_wait3A_12 = arith.constant 0 : i32
    %dma_wait3A_13 = arith.constant 0 : i32
    %dma_wait3A_14 = tpu.memref_slice %arg4[%dma_wait3A, %dma_wait3A_12, %dma_wait3A_13] : memref<1025x1025x64xf32, #tpu.memory_space<hbm>> -> memref<1x256x64xf32, #tpu.memory_space<hbm>>
    %dma_wait3A_15 = tpu.memref_squeeze %dma_wait3A_14 : memref<1x256x64xf32, #tpu.memory_space<hbm>> -> memref<256x64xf32, #tpu.memory_space<hbm>>
    %dma_wait3A_16 = arith.constant 0 : i32
    %dma_wait3A_17 = arith.constant 0 : i32
    %dma_wait3A_18 = tpu.memref_slice %arg4[%dma_wait3A, %dma_wait3A_16, %dma_wait3A_17] : memref<1025x1025x64xf32, #tpu.memory_space<hbm>> -> memref<1x256x64xf32, #tpu.memory_space<hbm>>
    %dma_wait3A_19 = tpu.memref_squeeze %dma_wait3A_18 : memref<1x256x64xf32, #tpu.memory_space<hbm>> -> memref<256x64xf32, #tpu.memory_space<hbm>>
    %dma_wait3A_20 = arith.constant 0 : i32
    %dma_wait3A_21 = arith.constant 0 : i32
    %dma_wait3A_22 = tpu.memref_slice %arg7[%dma_wait3A_20, %dma_wait3A_21] : memref<264x64xf32, #tpu.memory_space<vmem>> -> memref<256x64xf32, #tpu.memory_space<vmem>>
    tpu.wait_dma2 semaphore(%arg9 : memref<!tpu.dma_semaphore, #tpu.memory_space<semaphore_mem>>) src(%dma_wait3A_22 : memref<256x64xf32, #tpu.memory_space<vmem>>) dst(%dma_wait3A_19 : memref<256x64xf32, #tpu.memory_space<hbm>>)
    %dma_wait3A_23 = arith.constant 0 : i32
    %dma_wait3A_24 = arith.constant 0 : i32
    %dma_wait3A_25 = arith.constant 0 : i32
    %dma_wait3A_26 = tpu.memref_slice %arg8[%dma_wait3A_24, %dma_wait3A_25] : memref<264x64xf32, #tpu.memory_space<vmem>> -> memref<256x64xf32, #tpu.memory_space<vmem>>
    %dma_wait3A_27 = arith.constant 0 : i32
    %dma_wait3A_28 = arith.constant 0 : i32
    %dma_wait3A_29 = tpu.memref_slice %arg4[%dma_wait3A_23, %dma_wait3A_27, %dma_wait3A_28] : memref<1025x1025x64xf32, #tpu.memory_space<hbm>> -> memref<1x256x64xf32, #tpu.memory_space<hbm>>
    %dma_wait3A_30 = tpu.memref_squeeze %dma_wait3A_29 : memref<1x256x64xf32, #tpu.memory_space<hbm>> -> memref<256x64xf32, #tpu.memory_space<hbm>>
    %dma_wait3A_31 = arith.constant 0 : i32
    %dma_wait3A_32 = arith.constant 0 : i32
    %dma_wait3A_33 = tpu.memref_slice %arg4[%dma_wait3A_23, %dma_wait3A_31, %dma_wait3A_32] : memref<1025x1025x64xf32, #tpu.memory_space<hbm>> -> memref<1x256x64xf32, #tpu.memory_space<hbm>>
    %dma_wait3A_34 = tpu.memref_squeeze %dma_wait3A_33 : memref<1x256x64xf32, #tpu.memory_space<hbm>> -> memref<256x64xf32, #tpu.memory_space<hbm>>
    %dma_wait3A_35 = arith.constant 0 : i32
    %dma_wait3A_36 = arith.constant 0 : i32
    %dma_wait3A_37 = tpu.memref_slice %arg8[%dma_wait3A_35, %dma_wait3A_36] : memref<264x64xf32, #tpu.memory_space<vmem>> -> memref<256x64xf32, #tpu.memory_space<vmem>>
    tpu.wait_dma2 semaphore(%arg10 : memref<!tpu.dma_semaphore, #tpu.memory_space<semaphore_mem>>) src(%dma_wait3A_37 : memref<256x64xf32, #tpu.memory_space<vmem>>) dst(%dma_wait3A_34 : memref<256x64xf32, #tpu.memory_space<hbm>>)
    %dma_wait3A_38 = arith.constant 0 : i32
    %dma_wait3A_39 = arith.constant 256 : i32
    %dma_wait3A_40 = arith.constant 0 : i32
    %dma_wait3A_41 = tpu.memref_slice %arg8[%dma_wait3A_39, %dma_wait3A_40] : memref<264x64xf32, #tpu.memory_space<vmem>> -> memref<1x64xf32, #tpu.memory_space<vmem>>
    %dma_wait3A_42 = arith.constant 1024 : i32
    %dma_wait3A_43 = arith.constant 0 : i32
    %dma_wait3A_44 = tpu.memref_slice %arg4[%dma_wait3A_38, %dma_wait3A_42, %dma_wait3A_43] : memref<1025x1025x64xf32, #tpu.memory_space<hbm>> -> memref<1x1x64xf32, #tpu.memory_space<hbm>>
    %dma_wait3A_45 = tpu.memref_squeeze %dma_wait3A_44 : memref<1x1x64xf32, #tpu.memory_space<hbm>> -> memref<1x64xf32, #tpu.memory_space<hbm>>
    %dma_wait3A_46 = arith.constant 1024 : i32
    %dma_wait3A_47 = arith.constant 0 : i32
    %dma_wait3A_48 = tpu.memref_slice %arg4[%dma_wait3A_38, %dma_wait3A_46, %dma_wait3A_47] : memref<1025x1025x64xf32, #tpu.memory_space<hbm>> -> memref<1x1x64xf32, #tpu.memory_space<hbm>>
    %dma_wait3A_49 = tpu.memref_squeeze %dma_wait3A_48 : memref<1x1x64xf32, #tpu.memory_space<hbm>> -> memref<1x64xf32, #tpu.memory_space<hbm>>
    %dma_wait3A_50 = arith.constant 256 : i32
    %dma_wait3A_51 = arith.constant 0 : i32
    %dma_wait3A_52 = tpu.memref_slice %arg8[%dma_wait3A_50, %dma_wait3A_51] : memref<264x64xf32, #tpu.memory_space<vmem>> -> memref<1x64xf32, #tpu.memory_space<vmem>>
    tpu.wait_dma2 semaphore(%arg10 : memref<!tpu.dma_semaphore, #tpu.memory_space<semaphore_mem>>) src(%dma_wait3A_52 : memref<1x64xf32, #tpu.memory_space<vmem>>) dst(%dma_wait3A_49 : memref<1x64xf32, #tpu.memory_space<hbm>>)
    return
  }
}

</mosaic_0001>

<sc_bundles>
// kernel: kernel.3.cloned.1.call-start
scs
__scs_entry_jumppad:
0x0: {  	(pc) =	sbr.rel $0x88, $3  }
0x1: {  	(tag) =	ssettag $0x0;
	lr =	simm.s32 $0x1  }
0x2: {  	[smem:$0x3F9F] =	sst lr;
	_ =	strace $0xD0000000  }
0x3: {  	_ = 	snop  }
0x4: {  	_ = 	snop  }
0x5: {  	_ = 	snop  }
0x6: {  	_ = 	snop  }
0x7: {  	_ = 	snop  }
__scs_overlays_trampoline_lowered:
0x8: {  	[smem:$0x3FAE] =	sst s0  }
0x9: {  	[smem:$0x3FAF] =	sst s1  }
0xa: {  	[smem:$0x3FB0] =	sst s2  }
0xb: {  	[smem:$0x3FB1] =	sst s3  }
0xc: {  	[smem:$0x3FB2] =	sst s4  }
0xd: {  	[smem:$0x3FB3] =	sst s5  }
0xe: {  	[smem:$0x3FB4] =	sst s6  }
0xf: {  	[smem:$0x3FB5] =	sst s7  }
0x10: {  	[smem:$0x3FB6] =	sst s8  }
0x11: {  	[smem:$0x3FB7] =	sst s9;
	s0 =	simm.s32 @!p0 $0x0  }
0x12: {  	s1 =	sld [smem:$0x3F9D];
	s0 =	simm.s32 @p0 $0x1  }
0x13: {  	[smem:$0x3FB8] =	sst s0;
	s0 =	simm.s32 @!p1 $0x0  }
0x14: {  	s2 =	sld [smem:$0x3F9C];
	s0 =	simm.s32 @p1 $0x1  }
0x15: {  	[smem:$0x3FB9] =	sst s0;
	s0 =	simm.s32 @!p2 $0x0  }
0x16: {  	s3 =	sld [smem:$0x3FDB];
	s0 =	simm.s32 @p2 $0x1  }
0x17: {  	s4 =	simm.s32 $0x1BF5;
	[smem:$0x3FBB] =	sst s0  }
0x18: {  	s0 =	sld [smem:$0x3F9E];
	_ =	swait.ge [sflag:s4], $0x0  }
0x19: {  	s7 =	sld [smem:$0x3F9F]  }
0x1a: {  	s8 =	sadd.s32 $0xFFFFE003, lr  }
0x1b: {  	s9 =	sadd.s32 $0xFFFFFEF7, lr;
	s5 =	simm.s32 $0xFFFFFFFF;
	p2 =	slt.u32 s8, $0xFFFFF086  }
0x1c: {  	p1 =	slt.u32 s9, $0xF7A;
	s5 =	simm.s32 @!p2 $0x0  }
0x1d: {  	s5 =	simm.s32 @p1 $0x1;
	p0 =	seq.s32 s7, s2  }
0x1e: {  	s7 =	smul.u32 @!p0 $0xF7A, s2;
	p2 =	seq.s32 @!p0 s5, $0x0  }
0x1f: {  	s9 =	smul.u32 $0xF7A, s1;
	s8 =	simm.s32 @!p0 $0x1BF5;
	p2 =	por !p2, p0  }
0x20: {  	[sflag:s8] =	ssyncset.s32 @!p0 $0xFFFFF086;
	s6 =	sadd.s32 @!p0 s3, s7;
	s7 =	simm.s32 @!p0 $0x108  }
0x21: {  	s3 =	sadd.s32 s3, s9;
	s6 =	sadd.s32 @!p0 $0x88, s6;
	s7 =	simm.s32 @p2 $0x1082  }
0x22: {  	[simem:s7], [sflag:s8] =	dma.local @!p0 [hbm:s6], $0xF7A  }
0x23: {  	s9 =	sor.u32 $0xD0000000, s2;
	s6 =	simm.s32 $0x108;
	_ =	swait.ge @!p0 [sflag:s8], $0x0  }
0x24: {  	s3 =	sadd.s32 $0x88, s3;
	s6 =	simm.s32 @!p1 $0x1082;
	[sflag:s4] =	ssyncset.s32 $0xFFFFF086  }
0x25: {  	[simem:s6], [sflag:s4] =	dma.local [hbm:s3], $0xF7A  }
0x26: {  	[smem:$0x3F9F] =	sst s1;
	(tag) =	ssettag s2;
	_ =	strace s9  }
0x27: {  	s1 =	sld [smem:$0x3FAF]  }
0x28: {  	s2 =	sld [smem:$0x3FB0]  }
0x29: {  	s4 =	sld [smem:$0x3FB2]  }
0x2a: {  	p0 =	seq.s32 s5, $0x0;
	s5 =	sld [smem:$0x3FB3]  }
0x2b: {  	s6 =	sld [smem:$0x3FB4]  }
0x2c: {  	s7 =	sld [smem:$0x3FB5]  }
0x2d: {  	s3 =	simm.s32 $0x108;
	s8 =	sld [smem:$0x3FB6]  }
0x2e: {  	s3 =	simm.s32 @!p0 $0x1082;
	s9 =	sld [smem:$0x3FB7]  }
0x2f: {  	lr =	sadd.s32 s0, s3;
	s0 =	sld [smem:$0x3FAE]  }
0x30: {  	s3 =	sld [smem:$0x3FB1]  }
0x31: {  	[smem:$0x3FBA] =	sst s10  }
0x32: {  	s10 =	sld [smem:$0x3FB8];
	_ =	sdelay $0x3  }
0x33: {  	p0 =	seq.s32 s10, $0x1;
	s10 =	sld [smem:$0x3FBA];
	_ =	sdelay $0x3  }
0x34: {  	[smem:$0x3FBA] =	sst s10  }
0x35: {  	s10 =	sld [smem:$0x3FB9];
	_ =	sdelay $0x3  }
0x36: {  	p1 =	seq.s32 s10, $0x1;
	s10 =	sld [smem:$0x3FBA];
	_ =	sdelay $0x3  }
0x37: {  	[smem:$0x3FBA] =	sst s10  }
0x38: {  	s10 =	sld [smem:$0x3FBB]  }
0x39: {  	_ = 	snop;
	(pc) =	sbr.ind lr, $3  }
0x3a: {  	_ = 	snop  }
0x3b: {  	_ = 	snop  }
0x3c: {  	p2 =	seq.s32 s10, $0x1;
	s10 =	sld [smem:$0x3FBA]  }
0x3d: {  	_ =	shalt  }
0x3e: {  	_ =	shalt  }
0x3f: {  	_ =	shalt  }
0x40: {  	_ =	shalt  }
0x41: {  	_ =	shalt  }
0x42: {  	_ =	shalt  }
0x43: {  	_ =	shalt  }
0x44: {  	_ =	shalt  }
0x45: {  	_ =	shalt  }
0x46: {  	_ =	shalt  }
0x47: {  	_ =	shalt  }
0x48: {  	_ =	shalt  }
0x49: {  	_ =	shalt  }
0x4a: {  	_ =	shalt  }
0x4b: {  	_ =	shalt  }
0x4c: {  	_ =	shalt  }
0x4d: {  	_ =	shalt  }
0x4e: {  	_ =	shalt  }
0x4f: {  	_ =	shalt  }
0x50: {  	_ =	shalt  }
0x51: {  	_ =	shalt  }
0x52: {  	_ =	shalt  }
0x53: {  	_ =	shalt  }
0x54: {  	_ =	shalt  }
0x55: {  	_ =	shalt  }
0x56: {  	_ =	shalt  }
0x57: {  	_ =	shalt  }
0x58: {  	_ =	shalt  }
0x59: {  	_ =	shalt  }
0x5a: {  	_ =	shalt  }
0x5b: {  	_ =	shalt  }
0x5c: {  	_ =	shalt  }
0x5d: {  	_ =	shalt  }
0x5e: {  	_ =	shalt  }
0x5f: {  	_ =	shalt  }
0x60: {  	_ =	shalt  }
0x61: {  	_ =	shalt  }
0x62: {  	_ =	shalt  }
0x63: {  	_ =	shalt  }
0x64: {  	_ =	shalt  }
0x65: {  	_ =	shalt  }
0x66: {  	_ =	shalt  }
0x67: {  	_ =	shalt  }
0x68: {  	_ =	shalt  }
0x69: {  	_ =	shalt  }
0x6a: {  	_ =	shalt  }
0x6b: {  	_ =	shalt  }
0x6c: {  	_ =	shalt  }
0x6d: {  	_ =	shalt  }
0x6e: {  	_ =	shalt  }
0x6f: {  	_ =	shalt  }
0x70: {  	_ =	shalt  }
0x71: {  	_ =	shalt  }
0x72: {  	_ =	shalt  }
0x73: {  	_ =	shalt  }
0x74: {  	_ =	shalt  }
0x75: {  	_ =	shalt  }
0x76: {  	_ =	shalt  }
0x77: {  	_ =	shalt  }
0x78: {  	_ =	shalt  }
0x79: {  	_ =	shalt  }
0x7a: {  	_ =	shalt  }
0x7b: {  	_ =	shalt  }
0x7c: {  	_ =	shalt  }
0x7d: {  	_ =	shalt  }
0x7e: {  	_ =	shalt  }
0x7f: {  	_ =	shalt  }
0x80: {  	_ =	shalt  }
0x81: {  	_ =	shalt  }
0x82: {  	_ =	shalt  }
0x83: {  	_ =	shalt  }
0x84: {  	_ =	shalt  }
0x85: {  	_ =	shalt  }
0x86: {  	_ =	shalt  }
0x87: {  	_ =	shalt  }
.Lfunc_end0:
.L_simem_size_0:
called_computation_lowered:
.L_overlay_start_0:
0x88: {  	s2 =	sld [smem:$0x3FD9]  }
0x89: {  	s3 =	sld [smem:$0x3FFE];
	_ =	sdelay $0x1  }
0x8a: {  	s1 =	srdreg.scid  }
0x8b: {  	s0 =	sand.u32 $0x1, s1  }
0x8c: {  	s17 =	sshll.u32 s0, $0xA;
	s2 =	sadd.s32 s3, s2  }
0x8d: {  	s2 =	sadd.s32 s2, s17  }
0x8e: {  	[smem:$0x3FC6] =	sst s2  }
0x8f: {  	_ = 	snop  }
0x90: {  	s2 =	sld [smem:$0x3FD0];
	(tm) =	ssettm $0x1  }
0x91: {  	s18 =	sld [smem:$0x3FFB];
	_ =	sdelay $0x3  }
0x92: {  	_ =	strace s18  }
0x93: {  	s3 =	sld [smem:$0x3FFC];
	_ =	sdelay $0x3  }
0x94: {  	_ =	strace s3  }
0x95: {  	s3 =	sld [smem:$0x3FFD];
	_ =	sdelay $0x3  }
0x96: {  	_ =	strace s3  }
0x97: {  	_ =	strace $0x8FFFFFFF  }
0x98: {  	s19 =	sld [smem:$0x3FDB];
	_ =	sdelay $0x1  }
0x99: {  	s4 =	simm.s32 $_scs_section_size  }
0x9a: {  	s5 =	simm.s32 $_size__tile_overlayer_lowered;
	s6 =	simm.s32 $_tile_overlayer_lowered  }
0x9b: {  	s22 =	simm.s32 $0x1BFF;
	s21 =	sshll.u32 s6, $0x1;
	s3 =	sadd.s32 s4, s19  }
0x9c: {  	s7 =	simm.s32 $0x0;
	s20 =	sshll.u32 s5, $0x1;
	s5 =	sadd.s32 s21, s3  }
0x9d: {  	[timem:s7], [sflag:s22] =	dma.local [hbm:s5], s20  }
0x9e: {  	_ =	swait.ge [sflag:s22], s20  }
0x9f: {  	s4 =	ssub.s32 $0x0, s20;
	[sflag:s22] =	ssyncset.done $0x0  }
0xa0: {  	[sflag:s22] =	ssyncadd.s32 s4;
	_ =	sdelay $0x1  }
0xa1: {  	s23 =	simm.s32 $0x1B8B  }
0xa2: {  	_ =	swait.ge [sflag:s23], $0x1  }
0xa3: {  	[sflag:s23] =	ssyncset.done $0x0  }
0xa4: {  	s25 =	simm.s32 $0x1B8E;
	s24 =	sld [smem:$0x3FFE];
	[sflag:s23] =	ssyncadd.s32 $0xFFFFFFFF  }
0xa5: {  	s26 =	simm.s32 $execute0_lowered;
	[smem:$0x3FD2] =	sst s25  }
0xa6: {  	s5 =	sshll.u32 s26, $0x1;
	_ =	strace $0x80000046;
	[dreg:$0x1] =	wrdreg $0xFFFFFFFF  }
0xa7: {  	s28 =	simm.s32 $_size_execute0_lowered;
	s3 =	sadd.s32 s3, s5;
	[dreg:$0x0] =	wrdreg $0x0  }
0xa8: {  	s5 =	sshll.u32 s28, $0x1;
	[dreg:$0x2] =	wrdreg s3  }
0xa9: {  	[dreg:$0x3] =	wrdreg s5  }
0xaa: {  	[dreg:$0x4] =	wrdreg $0xC0  }
0xab: {  	_ =	task [dreg:s7], $0x5FFFF  }
0xac: {  	[dreg:$0x1] =	wrdreg $0xFFFFFFFF  }
0xad: {  	[dreg:$0x0] =	wrdreg $0x60  }
0xae: {  	[dreg:$0x2] =	wrdreg s2  }
0xaf: {  	[dreg:$0x3] =	wrdreg s24  }
0xb0: {  	[dreg:$0x4] =	wrdreg $0x9  }
0xb1: {  	_ =	task.clear_ibuf [dreg:s7], $0x5FFFF;
	_ =	strace $0x90000046  }
0xb2: {  	s29 =	simm.s32 $0x9;
	_ =	strace $0x80000048  }
0xb3: {  	_ =	swait.ge [sflag:s29], $0x1  }
0xb4: {  	[sflag:s29] =	ssyncadd.s32 $0xFFFFFFFF  }
0xb5: {  	_ =	strace $0x90000048  }
0xb6: {  	_ =	sfence  }
0xb7: {  	s30 =	sld [smem:$0x0];
	_ =	sdelay $0x2  }
0xb8: {  	s31 =	sshll.u32 s1, $0xD;
	s1 =	sshrl.u32 s1, $0x2  }
0xb9: {  	s3 =	sand.u32 $0x4000, s31;
	s1 =	sadd.s32 s1, s30  }
0xba: {  	s0 =	sor.u32 s3, s0;
	s1 =	sshll.u32 s1, $0x11  }
0xbb: {  	s0 =	sor.u32 s1, s0  }
0xbc: {  	s0 =	sadd.s32 $0x8F2B, s0  }
0xbd: {  	[sflag:s0] =	ssyncadd.remote.s32 $0x1  }
0xbe: {  	_ =	sfence.sel $0xFFFF  }
0xbf: {  	[dreg:$0x0] =	wrdreg $0xFFFFFFFF;
	(pc) =	sbr.abs _section_cstart, $3  }
0xc0: {  	[dreg:$0x1] =	wrdreg $0xFFFFFFFF  }
0xc1: {  	_ =	task.clear_ibuf [dreg:s7], $0x2FFFF;
	_ =	strace $0x9FFFFFFF  }
0xc2: {  	(tm) =	ssettm $0x7FFFFFFF  }
0xc3: {  	_ =	shalt  }
tec
execute0_lowered:
.L_overlay_start_1:
0x0: {  	(tag) =	ssettag $0x1  }
0x1: {  	s1 =	rddreg [dreg:$0x0]  }
0x2: {  	s12 =	rddreg [dreg:$0x1]  }
0x3: {  	s0 =	rddreg [dreg:$0x2];
	s3 =	simm.s32 $0x0  }
0x4: {  	s4 =	srdreg.scid;
	s2 =	stileid.u32;
	s14 =	simm.s32 $0x3  }
0x5: {  	s15 =	simm.s32 $0x2400;
	s16 =	simm.s32 $0x4800;
	s17 =	simm.s32 $0xCC00  }
0x6: {  	s18 =	simm.s32 $0x1;
	s19 =	simm.s32 $0x2;
	s20 =	simm.s32 $0x14C00  }
0x7: {  	[smem:$0x7FF] =	sst s3;
	s6 =	sand.u32 $0x1, s4;
	s4 =	sadd.s32 $0x400, s12  }
0x8: {  	s8 =	sshll.u32 s2, $0x1;
	s10 =	sadd.s32 $0x1022A00, s12;
	s11 =	sadd.s32 $0x1023A00, s12  }
.Ltmp0:
0x9: {  	s5 =	sadd.s32 $0xA00, s12;
	_ =	strace $0x80000047;
	(pc) =	sbr.rel .LBB2_1-.Ltmp0, $4  }
0xa: {  	s7 =	ssub.s32 $0x2, s6;
	s21 =	sor.u32 s6, s8;
	s8 =	sadd.s32 $0x1A00, s12  }
0xb: {  	s9 =	sshrl.u32 s7, $0x1;
	s6 =	sshll.u32 s21, $0x5;
	p0 =	sne.s32 s21, $0x0  }
0xc: {  	s21 =	simm.s32 $0x0;
	s13 =	ssub.s32 s7, s9;
	s7 =	sadd.s32 $0x1020A00, s12  }
0xd: {  	s9 =	sadd.s32 $0x1021A00, s12;
	s12 =	sadd.s32 $0x1024A00, s12;
	s13 =	smax.u32 s13, $0x1  }
.LBB2_18:
0xe: {  	s22 =	simm.s32 @!p0 $0x1  }
0xf: {  	_ =	swait.ge @!p0 [sflag:s22], $0x8000  }
0x10: {  	s23 =	simm.s32 @!p0 $0x0;
	[sflag:s22] =	ssyncset.done @!p0 $0x0  }
0x11: {  	s24 =	simm.s32 @!p0 $0x4800;
	s25 =	simm.s32 @!p0 $0x2;
	[sflag:s22] =	ssyncadd.s32 @!p0 $0xFFFF8000  }
0x12: {  	[hbm4b:s7+s23] =	stream.linear.scatter @!p0 [tilespmem:s24], [sflag:$0x1], $0x8000, $0x38;
	[tilespmem:$0x15000] =	vst v63  }
0x13: {  	_ =	swait.ge @!p0 [sflag:s25], $0x8000  }
0x14: {  	[sflag:s25] =	ssyncset.done @!p0 $0x0  }
0x15: {  	[sflag:s25] =	ssyncadd.s32 @!p0 $0xFFFF8000  }
0x16: {  	_ =	swait.ge @!p0 [sflag:s25], $0x80  }
0x17: {  	[sflag:s25] =	ssyncset.done @!p0 $0x0  }
0x18: {  	s26 =	simm.s32 @!p0 $0xCC00;
	[sflag:s25] =	ssyncadd.s32 @!p0 $0xFFFFFF80  }
0x19: {  	[hbm4b:s9+s23] =	stream.linear.scatter @!p0 [tilespmem:s26], [sflag:$0x2], $0x8000, $0x38;
	[tilespmem:$0x15000] =	vst v63  }
0x1a: {  	_ =	swait.ge @!p0 [sflag:s22], $0x8000  }
0x1b: {  	[sflag:s22] =	ssyncset.done @!p0 $0x0  }
0x1c: {  	[sflag:s22] =	ssyncadd.s32 @!p0 $0xFFFF8000  }
0x1d: {  	[hbm4b:s10+s23] =	stream.linear.scatter @!p0 [tilespmem:s24], [sflag:$0x1], $0x8000, $0x38;
	[tilespmem:$0x15000] =	vst v63  }
0x1e: {  	_ =	swait.ge @!p0 [sflag:s25], $0x8000  }
0x1f: {  	[sflag:s25] =	ssyncset.done @!p0 $0x0  }
0x20: {  	[sflag:s25] =	ssyncadd.s32 @!p0 $0xFFFF8000  }
0x21: {  	[hbm4b:s11+s23] =	stream.linear.scatter @!p0 [tilespmem:s26], [sflag:$0x2], $0x8000, $0x38;
	[tilespmem:$0x15000] =	vst v63  }
0x22: {  	s22 =	simm.s32 @!p0 $0x14C00  }
0x23: {  	[hbm4b:s12+s23] =	stream.linear.scatter @!p0 [tilespmem:s22], [sflag:$0x2], $0x80, $0x38;
	[tilespmem:$0x15000] =	vst v63  }
0x24: {  	_ =	swait.ge [sflag:s18], $0x8000  }
0x25: {  	[sflag:s18] =	ssyncset.done $0x0  }
0x26: {  	s21 =	sadd.s32 $0x1, s21;
	[sflag:s18] =	ssyncadd.s32 $0xFFFF8000  }
0x27: {  	p1 =	sne.s32 s21, s13;
	_ =	swait.ge [sflag:s19], $0x8000  }
.Ltmp1:
0x28: {  	[sflag:s19] =	ssyncset.done $0x0;
	(pc) =	sbr.rel @!p1 .LBB2_19-.Ltmp1, $4  }
0x29: {  	[sflag:s19] =	ssyncadd.s32 $0xFFFF8000  }
0x2a: {  	_ =	swait.ge [sflag:s19], $0x80  }
0x2b: {  	[sflag:s19] =	ssyncset.done $0x0  }
0x2c: {  	[sflag:s19] =	ssyncadd.s32 $0xFFFFFF80  }
.LBB2_1:
0x2d: {  	[tilespmem:s3], [sflag:$0x3] =	stream.linear.gather [hbm4b:s1+s3], $0x2100, $0x38;
	[tilespmem:$0x15000] =	vst v63  }
0x2e: {  	_ =	swait.ge [sflag:s14], $0x2100  }
0x2f: {  	[sflag:s14] =	ssyncset.done $0x0  }
.Ltmp2:
0x30: {  	[sflag:s14] =	ssyncadd.s32 $0xFFFFDF00;
	(pc) =	sbr.rel .LBB2_2-.Ltmp2, $4  }
0x31: {  	[tilespmem:s15], [sflag:$0x3] =	stream.linear.gather [hbm4b:s4+s3], $0x2100, $0x38;
	[tilespmem:$0x15000] =	vst v63  }
0x32: {  	_ =	swait.ge [sflag:s14], $0x2100  }
0x33: {  	[sflag:s14] =	ssyncset.done $0x0  }
0x34: {  	s22 =	simm.s32 $0x0;
	[sflag:s14] =	ssyncadd.s32 $0xFFFFDF00  }
.LBB2_16:
0x35: {  	[tilespmem:s24+$0xCC30] =	vst v3  }
0x36: {  	[tilespmem:s24+$0xCC20] =	vst v2  }
0x37: {  	[tilespmem:s24+$0xCC00] =	vst v0  }
0x38: {  	[tilespmem:s24+$0xCC10] =	vst v1  }
.LBB2_17:
0x39: {  	s22 =	sadd.s32 $0x1, s22  }
0x3a: {  	p1 =	sne.s32 s22, $0x20  }
.Ltmp3:
0x3b: {  	_ = 	snop;
	(pc) =	sbr.rel @!p1 .LBB2_18-.Ltmp3, $4  }
0x3c: {  	s24 =	sadd.s32 $0x3000, s23  }
0x3d: {  	[hbm4b:s24+s3] =	stream.linear.scatter [tilespmem:s17], [sflag:$0x2], $0x8000, $0x38;
	[tilespmem:$0x15000] =	vst v63  }
0x3e: {  	s31 =	sadd.s32 $0x4000, s23  }
0x3f: {  	[hbm4b:s31+s3] =	stream.linear.scatter [tilespmem:s20], [sflag:$0x2], $0x80, $0x38;
	[tilespmem:$0x15000] =	vst v63  }
.LBB2_2:
0x40: {  	s23 =	sadd.s32 s6, s22  }
0x41: {  	p1 =	sne.s32 s23, $0x0  }
.Ltmp4:
0x42: {  	p2 =	seq.s32 s22, $0x0;
	(pc) =	sbr.rel @p1 .LBB2_6-.Ltmp4, $4  }
0x43: {  	s24 =	simm.s32 @!p2 $0x1  }
0x44: {  	_ =	swait.ge @!p2 [sflag:s24], $0x8000  }
0x45: {  	[sflag:s24] =	ssyncset.done @!p2 $0x0  }
0x46: {  	[sflag:s24] =	ssyncadd.s32 @!p2 $0xFFFF8000  }
0x47: {  	v0 =	vld [tilespmem:$0x0]  }
0x48: {  	v1 =	vld [tilespmem:$0x2400]  }
0x49: {  	v2 =	vld [tilespmem:$0x10]  }
0x4a: {  	v3 =	vld [tilespmem:$0x2410]  }
0x4b: {  	v4 =	vld [tilespmem:$0x20]  }
0x4c: {  	v6 =	vld [tilespmem:$0x30]  }
0x4d: {  	v7 =	vld [tilespmem:$0x2430]  }
0x4e: {  	v5 =	vld [tilespmem:$0x2420];
	_ =	sdelay $0x2  }
0x4f: {  	v0 =	vadd.f32 v1, v0  }
0x50: {  	v1 =	vadd.f32 v3, v2;
	v3 =	vadd.f32 v7, v6  }
0x51: {  	s25 =	simm.s32 $0x200;
	s24 =	simm.s32 $0x0;
	v2 =	vadd.f32 v5, v4  }
.LBB2_4:
0x52: {  	p3 =	sne.s32 s25, $0x20000;
	[tilespmem:s24+$0x4830] =	vst v3;
	s26 =	smov.u32 s25;
	s25 =	sadd.s32 $0x200, s25  }
.Ltmp5:
0x53: {  	[tilespmem:s24+$0x4820] =	vst v2;
	(pc) =	sbr.rel @p3 .LBB2_4-.Ltmp5, $3  }
0x54: {  	[tilespmem:s24+$0x4800] =	vst v0  }
0x55: {  	[tilespmem:s24+$0x4810] =	vst v1;
	_ =	sdelay $0x1  }
0x56: {  	s24 =	sshra.s32 s26, $0x2  }
0x57: {  	[tilespmem:s24+$0x4830] =	vst v3  }
0x58: {  	[tilespmem:s24+$0x4820] =	vst v2  }
0x59: {  	[tilespmem:s24+$0x4800] =	vst v0  }
0x5a: {  	[tilespmem:s24+$0x4810] =	vst v1  }
.LBB2_6:
0x5b: {  	s23 =	smul.u32 $0x20400, s23;
	_ =	sdelay $0x1  }
0x5c: {  	s23 =	sshrl.u32 s23, $0x3  }
0x5d: {  	s24 =	simm.s32 @!p2 $0x2;
	s23 =	sadd.s32 s5, s23  }
0x5e: {  	[hbm4b:s23+s3] =	stream.linear.scatter [tilespmem:s16], [sflag:$0x1], $0x8000, $0x38;
	[tilespmem:$0x15000] =	vst v63  }
0x5f: {  	_ =	swait.ge @!p2 [sflag:s24], $0x8000  }
.Ltmp6:
0x60: {  	[sflag:s24] =	ssyncset.done @!p2 $0x0;
	(pc) =	sbr.rel @!p1 .LBB2_7-.Ltmp6, $4  }
0x61: {  	[sflag:s24] =	ssyncadd.s32 @!p2 $0xFFFF8000  }
0x62: {  	_ =	swait.ge @!p2 [sflag:s24], $0x80  }
0x63: {  	[sflag:s24] =	ssyncset.done @!p2 $0x0  }
0x64: {  	[sflag:s24] =	ssyncadd.s32 @!p2 $0xFFFFFF80  }
.Ltmp7:
0x65: {  	s24 =	sadd.s32 $0x1000, s23;
	(pc) =	sbr.rel .LBB2_13-.Ltmp7, $4  }
0x66: {  	[hbm4b:s24+s3] =	stream.linear.scatter [tilespmem:s17], [sflag:$0x2], $0x8000, $0x38;
	[tilespmem:$0x15000] =	vst v63  }
0x67: {  	_ =	swait.ge [sflag:s18], $0x8000  }
0x68: {  	[sflag:s18] =	ssyncset.done $0x0  }
0x69: {  	[sflag:s18] =	ssyncadd.s32 $0xFFFF8000  }
.LBB2_7:
0x6a: {  	v0 =	vld [tilespmem:$0x0]  }
0x6b: {  	v1 =	vld [tilespmem:$0x2400]  }
0x6c: {  	v2 =	vld [tilespmem:$0x10]  }
0x6d: {  	v3 =	vld [tilespmem:$0x2410]  }
0x6e: {  	v4 =	vld [tilespmem:$0x20]  }
0x6f: {  	v6 =	vld [tilespmem:$0x30]  }
0x70: {  	v7 =	vld [tilespmem:$0x2430]  }
0x71: {  	v5 =	vld [tilespmem:$0x2420];
	_ =	sdelay $0x2  }
0x72: {  	v0 =	vadd.f32 v1, v0  }
0x73: {  	v1 =	vadd.f32 v3, v2;
	v3 =	vadd.f32 v7, v6  }
0x74: {  	s25 =	simm.s32 $0x200;
	s24 =	simm.s32 $0x0;
	v2 =	vadd.f32 v5, v4  }
.LBB2_8:
0x75: {  	p2 =	sne.s32 s25, $0x20000;
	[tilespmem:s24+$0xCC30] =	vst v3;
	s26 =	smov.u32 s25;
	s25 =	sadd.s32 $0x200, s25  }
.Ltmp8:
0x76: {  	[tilespmem:s24+$0xCC20] =	vst v2;
	(pc) =	sbr.rel @p2 .LBB2_8-.Ltmp8, $3  }
0x77: {  	[tilespmem:s24+$0xCC00] =	vst v0  }
0x78: {  	[tilespmem:s24+$0xCC10] =	vst v1;
	_ =	sdelay $0x1  }
0x79: {  	s24 =	sshra.s32 s26, $0x2  }
0x7a: {  	[tilespmem:s24+$0xCC30] =	vst v3  }
0x7b: {  	[tilespmem:s24+$0xCC20] =	vst v2  }
0x7c: {  	[tilespmem:s24+$0xCC00] =	vst v0  }
0x7d: {  	[tilespmem:s24+$0xCC10] =	vst v1;
	s31 =	simm.s32 $0x0  }
0x7e: {  	[hbm4b:s8+s31] =	stream.linear.scatter [tilespmem:s17], [sflag:$0x2], $0x8000, $0x38;
	[tilespmem:$0x15000] =	vst v63  }
0x7f: {  	_ =	swait.ge [sflag:s18], $0x8000  }
0x80: {  	[sflag:s18] =	ssyncset.done $0x0  }
0x81: {  	[sflag:s18] =	ssyncadd.s32 $0xFFFF8000  }
0x82: {  	v0 =	vld [tilespmem:$0x0]  }
0x83: {  	v1 =	vld [tilespmem:$0x2400]  }
0x84: {  	v2 =	vld [tilespmem:$0x10]  }
0x85: {  	v3 =	vld [tilespmem:$0x2410]  }
0x86: {  	v4 =	vld [tilespmem:$0x20]  }
0x87: {  	v6 =	vld [tilespmem:$0x30]  }
0x88: {  	v7 =	vld [tilespmem:$0x2430]  }
0x89: {  	v5 =	vld [tilespmem:$0x2420];
	_ =	sdelay $0x2  }
0x8a: {  	v0 =	vadd.f32 v1, v0  }
0x8b: {  	v1 =	vadd.f32 v3, v2;
	v3 =	vadd.f32 v7, v6  }
0x8c: {  	s25 =	simm.s32 $0x200;
	s24 =	simm.s32 $0x0;
	v2 =	vadd.f32 v5, v4  }
.LBB2_10:
0x8d: {  	p2 =	seq.s32 s25, $0x20000;
	[tilespmem:s24+$0x4830] =	vst v3;
	s26 =	smov.u32 s25;
	s25 =	sadd.s32 $0x200, s25  }
.Ltmp9:
0x8e: {  	[tilespmem:s24+$0x4820] =	vst v2;
	(pc) =	sbr.rel @!p2 .LBB2_10-.Ltmp9, $3  }
0x8f: {  	[tilespmem:s24+$0x4800] =	vst v0  }
0x90: {  	[tilespmem:s24+$0x4810] =	vst v1;
	_ =	sdelay $0x1  }
0x91: {  	s24 =	sshra.s32 s26, $0x2  }
0x92: {  	[tilespmem:s24+$0x4830] =	vst v3  }
0x93: {  	[tilespmem:s24+$0x4820] =	vst v2  }
0x94: {  	[tilespmem:s24+$0x4800] =	vst v0  }
0x95: {  	[tilespmem:s24+$0x4810] =	vst v1  }
.LBB2_13:
.Ltmp10:
0x96: {  	s24 =	sadd.s32 $0x2000, s23;
	(pc) =	sbr.rel @p1 .LBB2_17-.Ltmp10, $4  }
0x97: {  	[hbm4b:s24+s3] =	stream.linear.scatter [tilespmem:s16], [sflag:$0x1], $0x8000, $0x38;
	[tilespmem:$0x15000] =	vst v63  }
0x98: {  	_ =	swait.ge [sflag:s19], $0x8000  }
0x99: {  	[sflag:s19] =	ssyncset.done $0x0  }
0x9a: {  	[sflag:s19] =	ssyncadd.s32 $0xFFFF8000  }
0x9b: {  	v0 =	vld [tilespmem:$0x0]  }
0x9c: {  	v1 =	vld [tilespmem:$0x2400]  }
0x9d: {  	v2 =	vld [tilespmem:$0x10]  }
0x9e: {  	v3 =	vld [tilespmem:$0x2410]  }
0x9f: {  	v4 =	vld [tilespmem:$0x20]  }
0xa0: {  	v6 =	vld [tilespmem:$0x30]  }
0xa1: {  	v7 =	vld [tilespmem:$0x2430]  }
0xa2: {  	v5 =	vld [tilespmem:$0x2420];
	_ =	sdelay $0x2  }
0xa3: {  	v0 =	vadd.f32 v1, v0  }
0xa4: {  	v1 =	vadd.f32 v3, v2;
	v3 =	vadd.f32 v7, v6  }
0xa5: {  	s25 =	simm.s32 $0x200;
	s24 =	simm.s32 $0x0;
	v2 =	vadd.f32 v5, v4  }
.LBB2_15:
0xa6: {  	p1 =	sne.s32 s25, $0x20000;
	[tilespmem:s24+$0xCC30] =	vst v3;
	s26 =	smov.u32 s25;
	s25 =	sadd.s32 $0x200, s25  }
.Ltmp11:
0xa7: {  	[tilespmem:s24+$0xCC20] =	vst v2;
	(pc) =	sbr.rel @p1 .LBB2_15-.Ltmp11, $3  }
0xa8: {  	[tilespmem:s24+$0xCC00] =	vst v0  }
0xa9: {  	[tilespmem:s24+$0xCC10] =	vst v1;
	_ =	sdelay $0x1  }
0xaa: {  	s24 =	sshra.s32 s26, $0x2  }
.Ltmp12:
0xab: {  	_ = 	snop;
	(pc) =	sbr.rel .LBB2_16-.Ltmp12, $1  }
0xac: {  	_ =	sdelay $0x3  }
.LBB2_19:
0xad: {  	_ =	sfence.sel $0x180000  }
0xae: {  	[bflag:$0x0] =	sbarrier.arrive $0xFFFF  }
0xaf: {  	p0 =	sne.s32 s2, $0x0;
	_ =	strace $0x90000047  }
0xb0: {  	s0 =	sadd.s32 @!p0 $0x100000, s0;
	[bflag:$0x2] =	sbarrier.arrive $0xFFFF  }
0xb1: {  	[sflag:s0] =	ssyncadd.tile.s32 @!p0 $0x1;
	_ =	shalt  }
.Lfunc_end2:
_tile_overlayer_lowered:
.L_overlay_start_2:
0xb2: {  	(tag) =	ssettag $0x2  }
0xb3: {  	s0 =	rddreg [dreg:$0x0];
	s2 =	stileid.u32  }
0xb4: {  	s1 =	rddreg [dreg:$0x1];
	p0 =	sne.s32 s2, $0x0  }
0xb5: {  	s3 =	rddreg [dreg:$0x2];
	[bflag:$0x3] =	sbarrier.arrive $0xFFFF;
	s2 =	simm.s32 @!p0 $0x1C03  }
0xb6: {  	[timem:s3], [sflag:s2] =	dma.local @!p0 [hbm:s0], s1  }
0xb7: {  	s0 =	simm.s32 @!p0 $0x3  }
0xb8: {  	_ =	swait.ge @!p0 [sflag:s0], s1  }
0xb9: {  	s1 =	ssub.s32 @!p0 $0x0, s1;
	[sflag:s0] =	ssyncset.done @!p0 $0x0  }
0xba: {  	[sflag:s0] =	ssyncadd.s32 @!p0 s1  }
0xbb: {  	[bflag:$0x3] =	sbarrier.arrive $0xFFFF  }
0xbc: {  	_ =	shalt  }

</sc_bundles>
